<compile_context>
chip_gen: v7x
topology: tpu7x:2x2x1
jax: 0.10.2.dev20260603
libtpu: 0.0.44.dev20260713+nightly
codegen_flags: <defaults>
</compile_context>

<pallas_src>
import functools

import jax
import jax.numpy as jnp
from jax import lax
from jax.experimental import pallas as pl
from jax.experimental.pallas import tpu as pltpu
from jax.experimental.pallas import tpu_sc as plsc

_NUM_CORES = 2
_NUM_SUBCORES = 16
_NUM_WORKERS = _NUM_CORES * _NUM_SUBCORES
_CHUNK = 16
_SLOTS = 3


def _gather_call(batch, seq, hidden, idx, table):
    total = batch * seq
    b_per_w = total // _NUM_WORKERS
    w_per_row = seq // b_per_w
    n_chunks = b_per_w // _CHUNK
    n_rounds = n_chunks + 2
    n_rounds += (-n_rounds) % _SLOTS
    mesh = plsc.VectorSubcoreMesh(core_axis_name="c", subcore_axis_name="s")

    @functools.partial(
        pl.kernel,
        mesh=mesh,
        out_type=jax.ShapeDtypeStruct((batch, seq, hidden), jnp.float32),
        scratch_types=[
            pltpu.VMEM((b_per_w,), jnp.int32),
            pltpu.VMEM_SHARED(
                (_NUM_SUBCORES, _SLOTS * _CHUNK, hidden), jnp.float32
            ),
            pltpu.SemaphoreType.DMA,
            pltpu.SemaphoreType.DMA,
            pltpu.SemaphoreType.DMA,
            pltpu.SemaphoreType.DMA,
        ],
    )
    def _gather(idx_hbm, table_hbm, out_hbm, idx_v, ring, s0, s1, s2, s_out):
        cid = lax.axis_index("c")
        sid = lax.axis_index("s")
        wid = sid * _NUM_CORES + cid
        row = wid // w_per_row
        off = (wid % w_per_row) * b_per_w
        pltpu.sync_copy(idx_hbm.at[row, pl.ds(off, b_per_w)], idx_v)
        sg = (s0, s1, s2)

        def round_(r, p):
            @pl.when((r >= _SLOTS) & (r < n_chunks + _SLOTS))
            def _():
                pltpu.make_async_copy(
                    ring.at[sid, pl.ds(0, _CHUNK)],
                    out_hbm.at[row, pl.ds(off, _CHUNK)],
                    s_out,
                ).wait()

            @pl.when((r >= 2) & (r < n_chunks + 2))
            def _():
                c = r - 2
                pltpu.make_async_copy(
                    table_hbm.at[pl.ds(0, _CHUNK)],
                    ring.at[sid, pl.ds(0, _CHUNK)],
                    sg[(p - 2) % _SLOTS],
                ).wait()
                pltpu.async_copy(
                    ring.at[sid, pl.ds(((p - 2) % _SLOTS) * _CHUNK, _CHUNK)],
                    out_hbm.at[row, pl.ds(off + c * _CHUNK, _CHUNK)],
                    s_out,
                )

            @pl.when(r < n_chunks)
            def _():
                vec = idx_v[pl.ds(r * _CHUNK, _CHUNK)]
                for j in range(_CHUNK):
                    pltpu.async_copy(
                        table_hbm.at[vec[j]],
                        ring.at[sid, p * _CHUNK + j],
                        sg[p],
                    )

        def body(i, carry):
            for p in range(_SLOTS):
                round_(i * _SLOTS + p, p)
            return carry

        lax.fori_loop(0, n_rounds // _SLOTS, body, 0)

    return _gather(idx, table)


def kernel(position_ids, weight):
    batch, seq = position_ids.shape
    vocab, hidden = weight.shape
    idx = position_ids.astype(jnp.int32)
    return _gather_call(batch, seq, hidden, idx, weight)

# --- scband reference (transcript-rebuilt; emitter-appended) ---
"""Pipeline reference for scband-learned-positional-embedding-46591805227018 (READ-ONLY COPY).

The authoritative reference and input builder live on the scoring server;
editing this copy changes nothing except your own understanding.
"""

import jax, jax.numpy as jnp
import numpy as np

MAX_POS = 8192
HIDDEN = 2048
BATCH = 4
SEQ = 4096

def setup_inputs(seed: int = 0) -> dict:
    key = jax.random.key(seed)
    k1, k2 = jax.random.split(key)
    position_ids = jax.random.randint(k1, (BATCH, SEQ), 0, MAX_POS, dtype=jnp.int64 if jax.config.jax_enable_x64 else jnp.int32)
    weight = jax.random.normal(k2, (MAX_POS, HIDDEN), dtype=jnp.float32) * 0.02
    return {"position_ids": position_ids, "weight": weight}

def reference(position_ids, weight):
    # F.embedding(position_ids, weight) -> gather rows of weight
    return jnp.take(weight, position_ids, axis=0)

if __name__ == "__main__":
    import jax
    _d = setup_inputs()
    print(jax.jit(kernel)(*tuple(_d.values())))

</pallas_src>

<mosaic_0001>
#map = affine_map<(d0, d1) -> (0, 0)>
#map1 = affine_map<(d0, d1) -> (0, 0, 0)>
module attributes {stable_mosaic.version = 14 : i64} {
  func.func @_gather(%arg0: i32, %arg1: i32, %arg2: memref<4x4096xi32, #tpu.memory_space<hbm>>, %arg3: memref<8192x2048xf32, #tpu.memory_space<hbm>>, %arg4: memref<4x4096x2048xf32, #tpu.memory_space<hbm>>, %arg5: memref<512xi32, #tpu.memory_space<vmem>>, %arg6: memref<16x48x2048xf32, #tpu.memory_space<vmem_shared>>, %arg7: memref<!tpu.dma_semaphore, #tpu.memory_space<semaphore_mem>>, %arg8: memref<!tpu.dma_semaphore, #tpu.memory_space<semaphore_mem>>, %arg9: memref<!tpu.dma_semaphore, #tpu.memory_space<semaphore_mem>>, %arg10: memref<!tpu.dma_semaphore, #tpu.memory_space<semaphore_mem>>) attributes {dimension_semantics = [#tpu.dimension_semantics<core_parallel>, #tpu.dimension_semantics<subcore_parallel>], iteration_bounds = array<i64: 2, 16>, scalar_prefetch = 0 : i64, scratch_operands = 6 : i64, tpu.core_type = #tpu.core_type<sc_vector_subcore>, window_params = [{transform_indices = #map}, {transform_indices = #map}, {transform_indices = #map1}]} {
    %mul3A = arith.constant 2 : i32
    %mul3A_0 = arith.muli %arg1, %mul3A : i32
    %add3A = arith.addi %mul3A_0, %arg0 : i32
    %jit3A = arith.constant 8 : i32
    %div3A = arith.divsi %add3A, %jit3A : i32
    %sign3A = arith.constant 0 : i32
    %sign3A_1 = arith.cmpi sgt, %add3A, %sign3A : i32
    %sign3A_2 = arith.extui %sign3A_1 : i1 to i32
    %sign3A_3 = arith.constant 0 : i32
    %sign3A_4 = arith.cmpi slt, %add3A, %sign3A_3 : i32
    %sign3A_5 = arith.extui %sign3A_4 : i1 to i32
    %sign3A_6 = arith.subi %sign3A_2, %sign3A_5 : i32
    %sign3A_7 = arith.constant 0 : i32
    %sign3A_8 = arith.cmpi sgt, %jit3A, %sign3A_7 : i32
    %sign3A_9 = arith.extui %sign3A_8 : i1 to i32
    %sign3A_10 = arith.constant 0 : i32
    %sign3A_11 = arith.cmpi slt, %jit3A, %sign3A_10 : i32
    %sign3A_12 = arith.extui %sign3A_11 : i1 to i32
    %sign3A_13 = arith.subi %sign3A_9, %sign3A_12 : i32
    %ne3A = arith.cmpi ne, %sign3A_6, %sign3A_13 : i32
    %rem3A = arith.remsi %add3A, %jit3A : i32
    %ne3A_14 = arith.constant 0 : i32
    %ne3A_15 = arith.cmpi ne, %rem3A, %ne3A_14 : i32
    %and3A = arith.andi %ne3A, %ne3A_15 : i1
    %sub3A = arith.constant 1 : i32
    %sub3A_16 = arith.subi %div3A, %sub3A : i32
    %select_n3A = arith.select %and3A, %sub3A_16, %div3A : i32
    %jit3A_17 = arith.constant 8 : i32
    %eq3A = arith.constant 0 : i32
    %eq3A_18 = arith.cmpi eq, %jit3A_17, %eq3A : i32
    %jit3A_19 = arith.constant 1 : i32
    %select_n3A_20 = arith.select %eq3A_18, %jit3A_19, %jit3A_17 : i32
    %rem3A_21 = arith.remsi %add3A, %select_n3A_20 : i32
    %ne3A_22 = arith.constant 0 : i32
    %ne3A_23 = arith.cmpi ne, %rem3A_21, %ne3A_22 : i32
    %lt3A = arith.constant 0 : i32
    %lt3A_24 = arith.cmpi slt, %rem3A_21, %lt3A : i32
    %lt3A_25 = arith.constant 0 : i32
    %lt3A_26 = arith.cmpi slt, %select_n3A_20, %lt3A_25 : i32
    %ne3A_27 = arith.xori %lt3A_24, %lt3A_26 : i1
    %and3A_28 = arith.andi %ne3A_27, %ne3A_23 : i1
    %add3A_29 = arith.addi %rem3A_21, %select_n3A_20 : i32
    %select_n3A_30 = arith.select %and3A_28, %add3A_29, %rem3A_21 : i32
    %mul3A_31 = arith.constant 512 : i32
    %mul3A_32 = arith.muli %select_n3A_30, %mul3A_31 : i32
    "tpu.region"() ({
      %run_scoped3A = tpu.sem_alloc : memref<!tpu.dma_semaphore, #tpu.memory_space<semaphore_mem>>
      %dma_start3A = tpu.memref_slice %arg2[%select_n3A, %mul3A_32] : memref<4x4096xi32, #tpu.memory_space<hbm>> -> memref<1x512xi32, #tpu.memory_space<hbm>>
      %dma_start3A_38 = tpu.memref_squeeze %dma_start3A : memref<1x512xi32, #tpu.memory_space<hbm>> -> memref<512xi32, #tpu.memory_space<hbm>>
      %dma_start3A_39 = tpu.memref_slice %arg2[%select_n3A, %mul3A_32] : memref<4x4096xi32, #tpu.memory_space<hbm>> -> memref<1x512xi32, #tpu.memory_space<hbm>>
      %dma_start3A_40 = tpu.memref_squeeze %dma_start3A_39 : memref<1x512xi32, #tpu.memory_space<hbm>> -> memref<512xi32, #tpu.memory_space<hbm>>
      tpu.enqueue_dma source(%dma_start3A_40 : memref<512xi32, #tpu.memory_space<hbm>>) target(%arg5 : memref<512xi32, #tpu.memory_space<vmem>>) target_semaphore(%run_scoped3A : memref<!tpu.dma_semaphore, #tpu.memory_space<semaphore_mem>>)
      %dma_wait3A = tpu.memref_slice %arg2[%select_n3A, %mul3A_32] : memref<4x4096xi32, #tpu.memory_space<hbm>> -> memref<1x512xi32, #tpu.memory_space<hbm>>
      %dma_wait3A_41 = tpu.memref_squeeze %dma_wait3A : memref<1x512xi32, #tpu.memory_space<hbm>> -> memref<512xi32, #tpu.memory_space<hbm>>
      %dma_wait3A_42 = tpu.memref_slice %arg2[%select_n3A, %mul3A_32] : memref<4x4096xi32, #tpu.memory_space<hbm>> -> memref<1x512xi32, #tpu.memory_space<hbm>>
      %dma_wait3A_43 = tpu.memref_squeeze %dma_wait3A_42 : memref<1x512xi32, #tpu.memory_space<hbm>> -> memref<512xi32, #tpu.memory_space<hbm>>
      tpu.wait_dma2 semaphore(%run_scoped3A : memref<!tpu.dma_semaphore, #tpu.memory_space<semaphore_mem>>) src(%dma_wait3A_43 : memref<512xi32, #tpu.memory_space<hbm>>) dst(%arg5 : memref<512xi32, #tpu.memory_space<vmem>>)
      tpu.yield
    }) : () -> ()
    %scan3A = arith.constant 0 : i32
    %scan3A_33 = arith.constant 0 : i32
    %scan3A_34 = arith.constant 12 : i32
    %scan3A_35 = arith.addi %scan3A_33, %scan3A_34 : i32
    %scan3A_36 = arith.constant 1 : i32
    scf.for %scan3A_38 = %scan3A_33 to %scan3A_35 step %scan3A_36  : i32 {
      %mul3A_39 = arith.constant 3 : i32
      %mul3A_40 = arith.muli %scan3A_38, %mul3A_39 : i32
      %add3A_41 = arith.constant 0 : i32
      %add3A_42 = arith.addi %mul3A_40, %add3A_41 : i32
      %ge3A = arith.constant 3 : i32
      %ge3A_43 = arith.cmpi sge, %add3A_42, %ge3A : i32
      %lt3A_44 = arith.constant 35 : i32
      %lt3A_45 = arith.cmpi slt, %add3A_42, %lt3A_44 : i32
      %and3A_46 = arith.andi %ge3A_43, %lt3A_45 : i1
      %convert_element_type3A = arith.extui %and3A_46 : i1 to i32
      %cond3A = arith.constant 0 : i32
      %cond3A_47 = arith.cmpi ne, %convert_element_type3A, %cond3A : i32
      scf.if %cond3A_47 {
        %dma_wait3A = arith.constant 0 : i32
        %dma_wait3A_111 = tpu.memref_slice %arg4[%select_n3A, %mul3A_32, %dma_wait3A] : memref<4x4096x2048xf32, #tpu.memory_space<hbm>> -> memref<1x16x2048xf32, #tpu.memory_space<hbm>>
        %dma_wait3A_112 = tpu.memref_squeeze %dma_wait3A_111 : memref<1x16x2048xf32, #tpu.memory_space<hbm>> -> memref<16x2048xf32, #tpu.memory_space<hbm>>
        %dma_wait3A_113 = arith.constant 0 : i32
        %dma_wait3A_114 = arith.constant 0 : i32
        %dma_wait3A_115 = tpu.memref_slice %arg6[%arg1, %dma_wait3A_113, %dma_wait3A_114] : memref<16x48x2048xf32, #tpu.memory_space<vmem_shared>> -> memref<1x16x2048xf32, #tpu.memory_space<vmem_shared>>
        %dma_wait3A_116 = tpu.memref_squeeze %dma_wait3A_115 : memref<1x16x2048xf32, #tpu.memory_space<vmem_shared>> -> memref<16x2048xf32, #tpu.memory_space<vmem_shared>>
        tpu.wait_dma2 semaphore(%arg10 : memref<!tpu.dma_semaphore, #tpu.memory_space<semaphore_mem>>) src(%dma_wait3A_116 : memref<16x2048xf32, #tpu.memory_space<vmem_shared>>) dst(%dma_wait3A_112 : memref<16x2048xf32, #tpu.memory_space<hbm>>)
      } else {
      }
      %ge3A_48 = arith.constant 2 : i32
      %ge3A_49 = arith.cmpi sge, %add3A_42, %ge3A_48 : i32
      %lt3A_50 = arith.constant 34 : i32
      %lt3A_51 = arith.cmpi slt, %add3A_42, %lt3A_50 : i32
      %and3A_52 = arith.andi %ge3A_49, %lt3A_51 : i1
      %convert_element_type3A_53 = arith.extui %and3A_52 : i1 to i32
      %cond3A_54 = arith.constant 0 : i32
      %cond3A_55 = arith.cmpi ne, %convert_element_type3A_53, %cond3A_54 : i32
      scf.if %cond3A_55 {
        %sub3A_111 = arith.constant 2 : i32
        %sub3A_112 = arith.subi %add3A_42, %sub3A_111 : i32
        %dma_wait3A = arith.constant 0 : i32
        %dma_wait3A_113 = arith.constant 0 : i32
        %dma_wait3A_114 = tpu.memref_slice %arg6[%arg1, %dma_wait3A, %dma_wait3A_113] : memref<16x48x2048xf32, #tpu.memory_space<vmem_shared>> -> memref<1x16x2048xf32, #tpu.memory_space<vmem_shared>>
        %dma_wait3A_115 = tpu.memref_squeeze %dma_wait3A_114 : memref<1x16x2048xf32, #tpu.memory_space<vmem_shared>> -> memref<16x2048xf32, #tpu.memory_space<vmem_shared>>
        %dma_wait3A_116 = arith.constant 0 : i32
        %dma_wait3A_117 = arith.constant 0 : i32
        %dma_wait3A_118 = tpu.memref_slice %arg3[%dma_wait3A_116, %dma_wait3A_117] : memref<8192x2048xf32, #tpu.memory_space<hbm>> -> memref<16x2048xf32, #tpu.memory_space<hbm>>
        tpu.wait_dma2 semaphore(%arg8 : memref<!tpu.dma_semaphore, #tpu.memory_space<semaphore_mem>>) src(%dma_wait3A_118 : memref<16x2048xf32, #tpu.memory_space<hbm>>) dst(%dma_wait3A_115 : memref<16x2048xf32, #tpu.memory_space<vmem_shared>>)
        %mul3A_119 = arith.constant 16 : i32
        %mul3A_120 = arith.muli %sub3A_112, %mul3A_119 : i32
        %add3A_121 = arith.addi %mul3A_32, %mul3A_120 : i32
        %dma_start3A = arith.constant 0 : i32
        %dma_start3A_122 = tpu.memref_slice %arg4[%select_n3A, %add3A_121, %dma_start3A] : memref<4x4096x2048xf32, #tpu.memory_space<hbm>> -> memref<1x16x2048xf32, #tpu.memory_space<hbm>>
        %dma_start3A_123 = tpu.memref_squeeze %dma_start3A_122 : memref<1x16x2048xf32, #tpu.memory_space<hbm>> -> memref<16x2048xf32, #tpu.memory_space<hbm>>
        %dma_start3A_124 = arith.constant 16 : i32
        %dma_start3A_125 = arith.constant 0 : i32
        %dma_start3A_126 = tpu.memref_slice %arg6[%arg1, %dma_start3A_124, %dma_start3A_125] : memref<16x48x2048xf32, #tpu.memory_space<vmem_shared>> -> memref<1x16x2048xf32, #tpu.memory_space<vmem_shared>>
        %dma_start3A_127 = tpu.memref_squeeze %dma_start3A_126 : memref<1x16x2048xf32, #tpu.memory_space<vmem_shared>> -> memref<16x2048xf32, #tpu.memory_space<vmem_shared>>
        tpu.enqueue_dma source(%dma_start3A_127 : memref<16x2048xf32, #tpu.memory_space<vmem_shared>>) target(%dma_start3A_123 : memref<16x2048xf32, #tpu.memory_space<hbm>>) target_semaphore(%arg10 : memref<!tpu.dma_semaphore, #tpu.memory_space<semaphore_mem>>)
      } else {
      }
      %lt3A_56 = arith.constant 32 : i32
      %lt3A_57 = arith.cmpi slt, %add3A_42, %lt3A_56 : i32
      %convert_element_type3A_58 = arith.extui %lt3A_57 : i1 to i32
      %cond3A_59 = arith.constant 0 : i32
      %cond3A_60 = arith.cmpi ne, %convert_element_type3A_58, %cond3A_59 : i32
      scf.if %cond3A_60 {
        %mul3A_111 = arith.constant 16 : i32
        %mul3A_112 = arith.muli %add3A_42, %mul3A_111 : i32
        %get3A = arith.index_cast %mul3A_112 : i32 to index
        %get3A_113 = tpu.vector_load %arg5[%get3A] {strides = array<i32>} : memref<512xi32, #tpu.memory_space<vmem>>, vector<16xi32>,
        %get3A_114 = vector.shape_cast %get3A_113 : vector<16xi32> to vector<16xi32>
        %slice3A = vector.extract_strided_slice %get3A_114 {offsets = [0], sizes = [1], strides = [1]} : vector<16xi32> to vector<1xi32>
        %squeeze3A = vector.extract %slice3A[0] : i32 from vector<1xi32>
        %dma_start3A = arith.constant 0 : i32
        %dma_start3A_115 = arith.constant 0 : i32
        %dma_start3A_116 = tpu.memref_slice %arg6[%arg1, %dma_start3A, %dma_start3A_115] : memref<16x48x2048xf32, #tpu.memory_space<vmem_shared>> -> memref<1x1x2048xf32, #tpu.memory_space<vmem_shared>>
        %dma_start3A_117 = tpu.memref_squeeze %dma_start3A_116 : memref<1x1x2048xf32, #tpu.memory_space<vmem_shared>> -> memref<2048xf32, #tpu.memory_space<vmem_shared>>
        %dma_start3A_118 = arith.constant 0 : i32
        %dma_start3A_119 = tpu.memref_slice %arg3[%squeeze3A, %dma_start3A_118] : memref<8192x2048xf32, #tpu.memory_space<hbm>> -> memref<1x2048xf32, #tpu.memory_space<hbm>>
        %dma_start3A_120 = tpu.memref_squeeze %dma_start3A_119 : memref<1x2048xf32, #tpu.memory_space<hbm>> -> memref<2048xf32, #tpu.memory_space<hbm>>
        tpu.enqueue_dma source(%dma_start3A_120 : memref<2048xf32, #tpu.memory_space<hbm>>) target(%dma_start3A_117 : memref<2048xf32, #tpu.memory_space<vmem_shared>>) target_semaphore(%arg7 : memref<!tpu.dma_semaphore, #tpu.memory_space<semaphore_mem>>)
        %slice3A_121 = vector.extract_strided_slice %get3A_114 {offsets = [1], sizes = [1], strides = [1]} : vector<16xi32> to vector<1xi32>
        %squeeze3A_122 = vector.extract %slice3A_121[0] : i32 from vector<1xi32>
        %dma_start3A_123 = arith.constant 1 : i32
        %dma_start3A_124 = arith.constant 0 : i32
        %dma_start3A_125 = tpu.memref_slice %arg6[%arg1, %dma_start3A_123, %dma_start3A_124] : memref<16x48x2048xf32, #tpu.memory_space<vmem_shared>> -> memref<1x1x2048xf32, #tpu.memory_space<vmem_shared>>
        %dma_start3A_126 = tpu.memref_squeeze %dma_start3A_125 : memref<1x1x2048xf32, #tpu.memory_space<vmem_shared>> -> memref<2048xf32, #tpu.memory_space<vmem_shared>>
        %dma_start3A_127 = arith.constant 0 : i32
        %dma_start3A_128 = tpu.memref_slice %arg3[%squeeze3A_122, %dma_start3A_127] : memref<8192x2048xf32, #tpu.memory_space<hbm>> -> memref<1x2048xf32, #tpu.memory_space<hbm>>
        %dma_start3A_129 = tpu.memref_squeeze %dma_start3A_128 : memref<1x2048xf32, #tpu.memory_space<hbm>> -> memref<2048xf32, #tpu.memory_space<hbm>>
        tpu.enqueue_dma source(%dma_start3A_129 : memref<2048xf32, #tpu.memory_space<hbm>>) target(%dma_start3A_126 : memref<2048xf32, #tpu.memory_space<vmem_shared>>) target_semaphore(%arg7 : memref<!tpu.dma_semaphore, #tpu.memory_space<semaphore_mem>>)
        %slice3A_130 = vector.extract_strided_slice %get3A_114 {offsets = [2], sizes = [1], strides = [1]} : vector<16xi32> to vector<1xi32>
        %squeeze3A_131 = vector.extract %slice3A_130[0] : i32 from vector<1xi32>
        %dma_start3A_132 = arith.constant 2 : i32
        %dma_start3A_133 = arith.constant 0 : i32
        %dma_start3A_134 = tpu.memref_slice %arg6[%arg1, %dma_start3A_132, %dma_start3A_133] : memref<16x48x2048xf32, #tpu.memory_space<vmem_shared>> -> memref<1x1x2048xf32, #tpu.memory_space<vmem_shared>>
        %dma_start3A_135 = tpu.memref_squeeze %dma_start3A_134 : memref<1x1x2048xf32, #tpu.memory_space<vmem_shared>> -> memref<2048xf32, #tpu.memory_space<vmem_shared>>
        %dma_start3A_136 = arith.constant 0 : i32
        %dma_start3A_137 = tpu.memref_slice %arg3[%squeeze3A_131, %dma_start3A_136] : memref<8192x2048xf32, #tpu.memory_space<hbm>> -> memref<1x2048xf32, #tpu.memory_space<hbm>>
        %dma_start3A_138 = tpu.memref_squeeze %dma_start3A_137 : memref<1x2048xf32, #tpu.memory_space<hbm>> -> memref<2048xf32, #tpu.memory_space<hbm>>
        tpu.enqueue_dma source(%dma_start3A_138 : memref<2048xf32, #tpu.memory_space<hbm>>) target(%dma_start3A_135 : memref<2048xf32, #tpu.memory_space<vmem_shared>>) target_semaphore(%arg7 : memref<!tpu.dma_semaphore, #tpu.memory_space<semaphore_mem>>)
        %slice3A_139 = vector.extract_strided_slice %get3A_114 {offsets = [3], sizes = [1], strides = [1]} : vector<16xi32> to vector<1xi32>
        %squeeze3A_140 = vector.extract %slice3A_139[0] : i32 from vector<1xi32>
        %dma_start3A_141 = arith.constant 3 : i32
        %dma_start3A_142 = arith.constant 0 : i32
        %dma_start3A_143 = tpu.memref_slice %arg6[%arg1, %dma_start3A_141, %dma_start3A_142] : memref<16x48x2048xf32, #tpu.memory_space<vmem_shared>> -> memref<1x1x2048xf32, #tpu.memory_space<vmem_shared>>
        %dma_start3A_144 = tpu.memref_squeeze %dma_start3A_143 : memref<1x1x2048xf32, #tpu.memory_space<vmem_shared>> -> memref<2048xf32, #tpu.memory_space<vmem_shared>>
        %dma_start3A_145 = arith.constant 0 : i32
        %dma_start3A_146 = tpu.memref_slice %arg3[%squeeze3A_140, %dma_start3A_145] : memref<8192x2048xf32, #tpu.memory_space<hbm>> -> memref<1x2048xf32, #tpu.memory_space<hbm>>
        %dma_start3A_147 = tpu.memref_squeeze %dma_start3A_146 : memref<1x2048xf32, #tpu.memory_space<hbm>> -> memref<2048xf32, #tpu.memory_space<hbm>>
        tpu.enqueue_dma source(%dma_start3A_147 : memref<2048xf32, #tpu.memory_space<hbm>>) target(%dma_start3A_144 : memref<2048xf32, #tpu.memory_space<vmem_shared>>) target_semaphore(%arg7 : memref<!tpu.dma_semaphore, #tpu.memory_space<semaphore_mem>>)
        %slice3A_148 = vector.extract_strided_slice %get3A_114 {offsets = [4], sizes = [1], strides = [1]} : vector<16xi32> to vector<1xi32>
        %squeeze3A_149 = vector.extract %slice3A_148[0] : i32 from vector<1xi32>
        %dma_start3A_150 = arith.constant 4 : i32
        %dma_start3A_151 = arith.constant 0 : i32
        %dma_start3A_152 = tpu.memref_slice %arg6[%arg1, %dma_start3A_150, %dma_start3A_151] : memref<16x48x2048xf32, #tpu.memory_space<vmem_shared>> -> memref<1x1x2048xf32, #tpu.memory_space<vmem_shared>>
        %dma_start3A_153 = tpu.memref_squeeze %dma_start3A_152 : memref<1x1x2048xf32, #tpu.memory_space<vmem_shared>> -> memref<2048xf32, #tpu.memory_space<vmem_shared>>
        %dma_start3A_154 = arith.constant 0 : i32
        %dma_start3A_155 = tpu.memref_slice %arg3[%squeeze3A_149, %dma_start3A_154] : memref<8192x2048xf32, #tpu.memory_space<hbm>> -> memref<1x2048xf32, #tpu.memory_space<hbm>>
        %dma_start3A_156 = tpu.memref_squeeze %dma_start3A_155 : memref<1x2048xf32, #tpu.memory_space<hbm>> -> memref<2048xf32, #tpu.memory_space<hbm>>
        tpu.enqueue_dma source(%dma_start3A_156 : memref<2048xf32, #tpu.memory_space<hbm>>) target(%dma_start3A_153 : memref<2048xf32, #tpu.memory_space<vmem_shared>>) target_semaphore(%arg7 : memref<!tpu.dma_semaphore, #tpu.memory_space<semaphore_mem>>)
        %slice3A_157 = vector.extract_strided_slice %get3A_114 {offsets = [5], sizes = [1], strides = [1]} : vector<16xi32> to vector<1xi32>
        %squeeze3A_158 = vector.extract %slice3A_157[0] : i32 from vector<1xi32>
        %dma_start3A_159 = arith.constant 5 : i32
        %dma_start3A_160 = arith.constant 0 : i32
        %dma_start3A_161 = tpu.memref_slice %arg6[%arg1, %dma_start3A_159, %dma_start3A_160] : memref<16x48x2048xf32, #tpu.memory_space<vmem_shared>> -> memref<1x1x2048xf32, #tpu.memory_space<vmem_shared>>
        %dma_start3A_162 = tpu.memref_squeeze %dma_start3A_161 : memref<1x1x2048xf32, #tpu.memory_space<vmem_shared>> -> memref<2048xf32, #tpu.memory_space<vmem_shared>>
        %dma_start3A_163 = arith.constant 0 : i32
        %dma_start3A_164 = tpu.memref_slice %arg3[%squeeze3A_158, %dma_start3A_163] : memref<8192x2048xf32, #tpu.memory_space<hbm>> -> memref<1x2048xf32, #tpu.memory_space<hbm>>
        %dma_start3A_165 = tpu.memref_squeeze %dma_start3A_164 : memref<1x2048xf32, #tpu.memory_space<hbm>> -> memref<2048xf32, #tpu.memory_space<hbm>>
        tpu.enqueue_dma source(%dma_start3A_165 : memref<2048xf32, #tpu.memory_space<hbm>>) target(%dma_start3A_162 : memref<2048xf32, #tpu.memory_space<vmem_shared>>) target_semaphore(%arg7 : memref<!tpu.dma_semaphore, #tpu.memory_space<semaphore_mem>>)
        %slice3A_166 = vector.extract_strided_slice %get3A_114 {offsets = [6], sizes = [1], strides = [1]} : vector<16xi32> to vector<1xi32>
        %squeeze3A_167 = vector.extract %slice3A_166[0] : i32 from vector<1xi32>
        %dma_start3A_168 = arith.constant 6 : i32
        %dma_start3A_169 = arith.constant 0 : i32
        %dma_start3A_170 = tpu.memref_slice %arg6[%arg1, %dma_start3A_168, %dma_start3A_169] : memref<16x48x2048xf32, #tpu.memory_space<vmem_shared>> -> memref<1x1x2048xf32, #tpu.memory_space<vmem_shared>>
        %dma_start3A_171 = tpu.memref_squeeze %dma_start3A_170 : memref<1x1x2048xf32, #tpu.memory_space<vmem_shared>> -> memref<2048xf32, #tpu.memory_space<vmem_shared>>
        %dma_start3A_172 = arith.constant 0 : i32
        %dma_start3A_173 = tpu.memref_slice %arg3[%squeeze3A_167, %dma_start3A_172] : memref<8192x2048xf32, #tpu.memory_space<hbm>> -> memref<1x2048xf32, #tpu.memory_space<hbm>>
        %dma_start3A_174 = tpu.memref_squeeze %dma_start3A_173 : memref<1x2048xf32, #tpu.memory_space<hbm>> -> memref<2048xf32, #tpu.memory_space<hbm>>
        tpu.enqueue_dma source(%dma_start3A_174 : memref<2048xf32, #tpu.memory_space<hbm>>) target(%dma_start3A_171 : memref<2048xf32, #tpu.memory_space<vmem_shared>>) target_semaphore(%arg7 : memref<!tpu.dma_semaphore, #tpu.memory_space<semaphore_mem>>)
        %slice3A_175 = vector.extract_strided_slice %get3A_114 {offsets = [7], sizes = [1], strides = [1]} : vector<16xi32> to vector<1xi32>
        %squeeze3A_176 = vector.extract %slice3A_175[0] : i32 from vector<1xi32>
        %dma_start3A_177 = arith.constant 7 : i32
        %dma_start3A_178 = arith.constant 0 : i32
        %dma_start3A_179 = tpu.memref_slice %arg6[%arg1, %dma_start3A_177, %dma_start3A_178] : memref<16x48x2048xf32, #tpu.memory_space<vmem_shared>> -> memref<1x1x2048xf32, #tpu.memory_space<vmem_shared>>
        %dma_start3A_180 = tpu.memref_squeeze %dma_start3A_179 : memref<1x1x2048xf32, #tpu.memory_space<vmem_shared>> -> memref<2048xf32, #tpu.memory_space<vmem_shared>>
        %dma_start3A_181 = arith.constant 0 : i32
        %dma_start3A_182 = tpu.memref_slice %arg3[%squeeze3A_176, %dma_start3A_181] : memref<8192x2048xf32, #tpu.memory_space<hbm>> -> memref<1x2048xf32, #tpu.memory_space<hbm>>
        %dma_start3A_183 = tpu.memref_squeeze %dma_start3A_182 : memref<1x2048xf32, #tpu.memory_space<hbm>> -> memref<2048xf32, #tpu.memory_space<hbm>>
        tpu.enqueue_dma source(%dma_start3A_183 : memref<2048xf32, #tpu.memory_space<hbm>>) target(%dma_start3A_180 : memref<2048xf32, #tpu.memory_space<vmem_shared>>) target_semaphore(%arg7 : memref<!tpu.dma_semaphore, #tpu.memory_space<semaphore_mem>>)
        %slice3A_184 = vector.extract_strided_slice %get3A_114 {offsets = [8], sizes = [1], strides = [1]} : vector<16xi32> to vector<1xi32>
        %squeeze3A_185 = vector.extract %slice3A_184[0] : i32 from vector<1xi32>
        %dma_start3A_186 = arith.constant 8 : i32
        %dma_start3A_187 = arith.constant 0 : i32
        %dma_start3A_188 = tpu.memref_slice %arg6[%arg1, %dma_start3A_186, %dma_start3A_187] : memref<16x48x2048xf32, #tpu.memory_space<vmem_shared>> -> memref<1x1x2048xf32, #tpu.memory_space<vmem_shared>>
        %dma_start3A_189 = tpu.memref_squeeze %dma_start3A_188 : memref<1x1x2048xf32, #tpu.memory_space<vmem_shared>> -> memref<2048xf32, #tpu.memory_space<vmem_shared>>
        %dma_start3A_190 = arith.constant 0 : i32
        %dma_start3A_191 = tpu.memref_slice %arg3[%squeeze3A_185, %dma_start3A_190] : memref<8192x2048xf32, #tpu.memory_space<hbm>> -> memref<1x2048xf32, #tpu.memory_space<hbm>>
        %dma_start3A_192 = tpu.memref_squeeze %dma_start3A_191 : memref<1x2048xf32, #tpu.memory_space<hbm>> -> memref<2048xf32, #tpu.memory_space<hbm>>
        tpu.enqueue_dma source(%dma_start3A_192 : memref<2048xf32, #tpu.memory_space<hbm>>) target(%dma_start3A_189 : memref<2048xf32, #tpu.memory_space<vmem_shared>>) target_semaphore(%arg7 : memref<!tpu.dma_semaphore, #tpu.memory_space<semaphore_mem>>)
        %slice3A_193 = vector.extract_strided_slice %get3A_114 {offsets = [9], sizes = [1], strides = [1]} : vector<16xi32> to vector<1xi32>
        %squeeze3A_194 = vector.extract %slice3A_193[0] : i32 from vector<1xi32>
        %dma_start3A_195 = arith.constant 9 : i32
        %dma_start3A_196 = arith.constant 0 : i32
        %dma_start3A_197 = tpu.memref_slice %arg6[%arg1, %dma_start3A_195, %dma_start3A_196] : memref<16x48x2048xf32, #tpu.memory_space<vmem_shared>> -> memref<1x1x2048xf32, #tpu.memory_space<vmem_shared>>
        %dma_start3A_198 = tpu.memref_squeeze %dma_start3A_197 : memref<1x1x2048xf32, #tpu.memory_space<vmem_shared>> -> memref<2048xf32, #tpu.memory_space<vmem_shared>>
        %dma_start3A_199 = arith.constant 0 : i32
        %dma_start3A_200 = tpu.memref_slice %arg3[%squeeze3A_194, %dma_start3A_199] : memref<8192x2048xf32, #tpu.memory_space<hbm>> -> memref<1x2048xf32, #tpu.memory_space<hbm>>
        %dma_start3A_201 = tpu.memref_squeeze %dma_start3A_200 : memref<1x2048xf32, #tpu.memory_space<hbm>> -> memref<2048xf32, #tpu.memory_space<hbm>>
        tpu.enqueue_dma source(%dma_start3A_201 : memref<2048xf32, #tpu.memory_space<hbm>>) target(%dma_start3A_198 : memref<2048xf32, #tpu.memory_space<vmem_shared>>) target_semaphore(%arg7 : memref<!tpu.dma_semaphore, #tpu.memory_space<semaphore_mem>>)
        %slice3A_202 = vector.extract_strided_slice %get3A_114 {offsets = [10], sizes = [1], strides = [1]} : vector<16xi32> to vector<1xi32>
        %squeeze3A_203 = vector.extract %slice3A_202[0] : i32 from vector<1xi32>
        %dma_start3A_204 = arith.constant 10 : i32
        %dma_start3A_205 = arith.constant 0 : i32
        %dma_start3A_206 = tpu.memref_slice %arg6[%arg1, %dma_start3A_204, %dma_start3A_205] : memref<16x48x2048xf32, #tpu.memory_space<vmem_shared>> -> memref<1x1x2048xf32, #tpu.memory_space<vmem_shared>>
        %dma_start3A_207 = tpu.memref_squeeze %dma_start3A_206 : memref<1x1x2048xf32, #tpu.memory_space<vmem_shared>> -> memref<2048xf32, #tpu.memory_space<vmem_shared>>
        %dma_start3A_208 = arith.constant 0 : i32
        %dma_start3A_209 = tpu.memref_slice %arg3[%squeeze3A_203, %dma_start3A_208] : memref<8192x2048xf32, #tpu.memory_space<hbm>> -> memref<1x2048xf32, #tpu.memory_space<hbm>>
        %dma_start3A_210 = tpu.memref_squeeze %dma_start3A_209 : memref<1x2048xf32, #tpu.memory_space<hbm>> -> memref<2048xf32, #tpu.memory_space<hbm>>
        tpu.enqueue_dma source(%dma_start3A_210 : memref<2048xf32, #tpu.memory_space<hbm>>) target(%dma_start3A_207 : memref<2048xf32, #tpu.memory_space<vmem_shared>>) target_semaphore(%arg7 : memref<!tpu.dma_semaphore, #tpu.memory_space<semaphore_mem>>)
        %slice3A_211 = vector.extract_strided_slice %get3A_114 {offsets = [11], sizes = [1], strides = [1]} : vector<16xi32> to vector<1xi32>
        %squeeze3A_212 = vector.extract %slice3A_211[0] : i32 from vector<1xi32>
        %dma_start3A_213 = arith.constant 11 : i32
        %dma_start3A_214 = arith.constant 0 : i32
        %dma_start3A_215 = tpu.memref_slice %arg6[%arg1, %dma_start3A_213, %dma_start3A_214] : memref<16x48x2048xf32, #tpu.memory_space<vmem_shared>> -> memref<1x1x2048xf32, #tpu.memory_space<vmem_shared>>
        %dma_start3A_216 = tpu.memref_squeeze %dma_start3A_215 : memref<1x1x2048xf32, #tpu.memory_space<vmem_shared>> -> memref<2048xf32, #tpu.memory_space<vmem_shared>>
        %dma_start3A_217 = arith.constant 0 : i32
        %dma_start3A_218 = tpu.memref_slice %arg3[%squeeze3A_212, %dma_start3A_217] : memref<8192x2048xf32, #tpu.memory_space<hbm>> -> memref<1x2048xf32, #tpu.memory_space<hbm>>
        %dma_start3A_219 = tpu.memref_squeeze %dma_start3A_218 : memref<1x2048xf32, #tpu.memory_space<hbm>> -> memref<2048xf32, #tpu.memory_space<hbm>>
        tpu.enqueue_dma source(%dma_start3A_219 : memref<2048xf32, #tpu.memory_space<hbm>>) target(%dma_start3A_216 : memref<2048xf32, #tpu.memory_space<vmem_shared>>) target_semaphore(%arg7 : memref<!tpu.dma_semaphore, #tpu.memory_space<semaphore_mem>>)
        %slice3A_220 = vector.extract_strided_slice %get3A_114 {offsets = [12], sizes = [1], strides = [1]} : vector<16xi32> to vector<1xi32>
        %squeeze3A_221 = vector.extract %slice3A_220[0] : i32 from vector<1xi32>
        %dma_start3A_222 = arith.constant 12 : i32
        %dma_start3A_223 = arith.constant 0 : i32
        %dma_start3A_224 = tpu.memref_slice %arg6[%arg1, %dma_start3A_222, %dma_start3A_223] : memref<16x48x2048xf32, #tpu.memory_space<vmem_shared>> -> memref<1x1x2048xf32, #tpu.memory_space<vmem_shared>>
        %dma_start3A_225 = tpu.memref_squeeze %dma_start3A_224 : memref<1x1x2048xf32, #tpu.memory_space<vmem_shared>> -> memref<2048xf32, #tpu.memory_space<vmem_shared>>
        %dma_start3A_226 = arith.constant 0 : i32
        %dma_start3A_227 = tpu.memref_slice %arg3[%squeeze3A_221, %dma_start3A_226] : memref<8192x2048xf32, #tpu.memory_space<hbm>> -> memref<1x2048xf32, #tpu.memory_space<hbm>>
        %dma_start3A_228 = tpu.memref_squeeze %dma_start3A_227 : memref<1x2048xf32, #tpu.memory_space<hbm>> -> memref<2048xf32, #tpu.memory_space<hbm>>
        tpu.enqueue_dma source(%dma_start3A_228 : memref<2048xf32, #tpu.memory_space<hbm>>) target(%dma_start3A_225 : memref<2048xf32, #tpu.memory_space<vmem_shared>>) target_semaphore(%arg7 : memref<!tpu.dma_semaphore, #tpu.memory_space<semaphore_mem>>)
        %slice3A_229 = vector.extract_strided_slice %get3A_114 {offsets = [13], sizes = [1], strides = [1]} : vector<16xi32> to vector<1xi32>
        %squeeze3A_230 = vector.extract %slice3A_229[0] : i32 from vector<1xi32>
        %dma_start3A_231 = arith.constant 13 : i32
        %dma_start3A_232 = arith.constant 0 : i32
        %dma_start3A_233 = tpu.memref_slice %arg6[%arg1, %dma_start3A_231, %dma_start3A_232] : memref<16x48x2048xf32, #tpu.memory_space<vmem_shared>> -> memref<1x1x2048xf32, #tpu.memory_space<vmem_shared>>
        %dma_start3A_234 = tpu.memref_squeeze %dma_start3A_233 : memref<1x1x2048xf32, #tpu.memory_space<vmem_shared>> -> memref<2048xf32, #tpu.memory_space<vmem_shared>>
        %dma_start3A_235 = arith.constant 0 : i32
        %dma_start3A_236 = tpu.memref_slice %arg3[%squeeze3A_230, %dma_start3A_235] : memref<8192x2048xf32, #tpu.memory_space<hbm>> -> memref<1x2048xf32, #tpu.memory_space<hbm>>
        %dma_start3A_237 = tpu.memref_squeeze %dma_start3A_236 : memref<1x2048xf32, #tpu.memory_space<hbm>> -> memref<2048xf32, #tpu.memory_space<hbm>>
        tpu.enqueue_dma source(%dma_start3A_237 : memref<2048xf32, #tpu.memory_space<hbm>>) target(%dma_start3A_234 : memref<2048xf32, #tpu.memory_space<vmem_shared>>) target_semaphore(%arg7 : memref<!tpu.dma_semaphore, #tpu.memory_space<semaphore_mem>>)
        %slice3A_238 = vector.extract_strided_slice %get3A_114 {offsets = [14], sizes = [1], strides = [1]} : vector<16xi32> to vector<1xi32>
        %squeeze3A_239 = vector.extract %slice3A_238[0] : i32 from vector<1xi32>
        %dma_start3A_240 = arith.constant 14 : i32
        %dma_start3A_241 = arith.constant 0 : i32
        %dma_start3A_242 = tpu.memref_slice %arg6[%arg1, %dma_start3A_240, %dma_start3A_241] : memref<16x48x2048xf32, #tpu.memory_space<vmem_shared>> -> memref<1x1x2048xf32, #tpu.memory_space<vmem_shared>>
        %dma_start3A_243 = tpu.memref_squeeze %dma_start3A_242 : memref<1x1x2048xf32, #tpu.memory_space<vmem_shared>> -> memref<2048xf32, #tpu.memory_space<vmem_shared>>
        %dma_start3A_244 = arith.constant 0 : i32
        %dma_start3A_245 = tpu.memref_slice %arg3[%squeeze3A_239, %dma_start3A_244] : memref<8192x2048xf32, #tpu.memory_space<hbm>> -> memref<1x2048xf32, #tpu.memory_space<hbm>>
        %dma_start3A_246 = tpu.memref_squeeze %dma_start3A_245 : memref<1x2048xf32, #tpu.memory_space<hbm>> -> memref<2048xf32, #tpu.memory_space<hbm>>
        tpu.enqueue_dma source(%dma_start3A_246 : memref<2048xf32, #tpu.memory_space<hbm>>) target(%dma_start3A_243 : memref<2048xf32, #tpu.memory_space<vmem_shared>>) target_semaphore(%arg7 : memref<!tpu.dma_semaphore, #tpu.memory_space<semaphore_mem>>)
        %slice3A_247 = vector.extract_strided_slice %get3A_114 {offsets = [15], sizes = [1], strides = [1]} : vector<16xi32> to vector<1xi32>
        %squeeze3A_248 = vector.extract %slice3A_247[0] : i32 from vector<1xi32>
        %dma_start3A_249 = arith.constant 15 : i32
        %dma_start3A_250 = arith.constant 0 : i32
        %dma_start3A_251 = tpu.memref_slice %arg6[%arg1, %dma_start3A_249, %dma_start3A_250] : memref<16x48x2048xf32, #tpu.memory_space<vmem_shared>> -> memref<1x1x2048xf32, #tpu.memory_space<vmem_shared>>
        %dma_start3A_252 = tpu.memref_squeeze %dma_start3A_251 : memref<1x1x2048xf32, #tpu.memory_space<vmem_shared>> -> memref<2048xf32, #tpu.memory_space<vmem_shared>>
        %dma_start3A_253 = arith.constant 0 : i32
        %dma_start3A_254 = tpu.memref_slice %arg3[%squeeze3A_248, %dma_start3A_253] : memref<8192x2048xf32, #tpu.memory_space<hbm>> -> memref<1x2048xf32, #tpu.memory_space<hbm>>
        %dma_start3A_255 = tpu.memref_squeeze %dma_start3A_254 : memref<1x2048xf32, #tpu.memory_space<hbm>> -> memref<2048xf32, #tpu.memory_space<hbm>>
        tpu.enqueue_dma source(%dma_start3A_255 : memref<2048xf32, #tpu.memory_space<hbm>>) target(%dma_start3A_252 : memref<2048xf32, #tpu.memory_space<vmem_shared>>) target_semaphore(%arg7 : memref<!tpu.dma_semaphore, #tpu.memory_space<semaphore_mem>>)
      } else {
      }
      %mul3A_61 = arith.constant 3 : i32
      %mul3A_62 = arith.muli %scan3A_38, %mul3A_61 : i32
      %add3A_63 = arith.constant 1 : i32
      %add3A_64 = arith.addi %mul3A_62, %add3A_63 : i32
      %ge3A_65 = arith.constant 3 : i32
      %ge3A_66 = arith.cmpi sge, %add3A_64, %ge3A_65 : i32
      %lt3A_67 = arith.constant 35 : i32
      %lt3A_68 = arith.cmpi slt, %add3A_64, %lt3A_67 : i32
      %and3A_69 = arith.andi %ge3A_66, %lt3A_68 : i1
      %convert_element_type3A_70 = arith.extui %and3A_69 : i1 to i32
      %cond3A_71 = arith.constant 0 : i32
      %cond3A_72 = arith.cmpi ne, %convert_element_type3A_70, %cond3A_71 : i32
      scf.if %cond3A_72 {
        %dma_wait3A = arith.constant 0 : i32
        %dma_wait3A_111 = tpu.memref_slice %arg4[%select_n3A, %mul3A_32, %dma_wait3A] : memref<4x4096x2048xf32, #tpu.memory_space<hbm>> -> memref<1x16x2048xf32, #tpu.memory_space<hbm>>
        %dma_wait3A_112 = tpu.memref_squeeze %dma_wait3A_111 : memref<1x16x2048xf32, #tpu.memory_space<hbm>> -> memref<16x2048xf32, #tpu.memory_space<hbm>>
        %dma_wait3A_113 = arith.constant 0 : i32
        %dma_wait3A_114 = arith.constant 0 : i32
        %dma_wait3A_115 = tpu.memref_slice %arg6[%arg1, %dma_wait3A_113, %dma_wait3A_114] : memref<16x48x2048xf32, #tpu.memory_space<vmem_shared>> -> memref<1x16x2048xf32, #tpu.memory_space<vmem_shared>>
        %dma_wait3A_116 = tpu.memref_squeeze %dma_wait3A_115 : memref<1x16x2048xf32, #tpu.memory_space<vmem_shared>> -> memref<16x2048xf32, #tpu.memory_space<vmem_shared>>
        tpu.wait_dma2 semaphore(%arg10 : memref<!tpu.dma_semaphore, #tpu.memory_space<semaphore_mem>>) src(%dma_wait3A_116 : memref<16x2048xf32, #tpu.memory_space<vmem_shared>>) dst(%dma_wait3A_112 : memref<16x2048xf32, #tpu.memory_space<hbm>>)
      } else {
      }
      %ge3A_73 = arith.constant 2 : i32
      %ge3A_74 = arith.cmpi sge, %add3A_64, %ge3A_73 : i32
      %lt3A_75 = arith.constant 34 : i32
      %lt3A_76 = arith.cmpi slt, %add3A_64, %lt3A_75 : i32
      %and3A_77 = arith.andi %ge3A_74, %lt3A_76 : i1
      %convert_element_type3A_78 = arith.extui %and3A_77 : i1 to i32
      %cond3A_79 = arith.constant 0 : i32
      %cond3A_80 = arith.cmpi ne, %convert_element_type3A_78, %cond3A_79 : i32
      scf.if %cond3A_80 {
        %sub3A_111 = arith.constant 2 : i32
        %sub3A_112 = arith.subi %add3A_64, %sub3A_111 : i32
        %dma_wait3A = arith.constant 0 : i32
        %dma_wait3A_113 = arith.constant 0 : i32
        %dma_wait3A_114 = tpu.memref_slice %arg6[%arg1, %dma_wait3A, %dma_wait3A_113] : memref<16x48x2048xf32, #tpu.memory_space<vmem_shared>> -> memref<1x16x2048xf32, #tpu.memory_space<vmem_shared>>
        %dma_wait3A_115 = tpu.memref_squeeze %dma_wait3A_114 : memref<1x16x2048xf32, #tpu.memory_space<vmem_shared>> -> memref<16x2048xf32, #tpu.memory_space<vmem_shared>>
        %dma_wait3A_116 = arith.constant 0 : i32
        %dma_wait3A_117 = arith.constant 0 : i32
        %dma_wait3A_118 = tpu.memref_slice %arg3[%dma_wait3A_116, %dma_wait3A_117] : memref<8192x2048xf32, #tpu.memory_space<hbm>> -> memref<16x2048xf32, #tpu.memory_space<hbm>>
        tpu.wait_dma2 semaphore(%arg9 : memref<!tpu.dma_semaphore, #tpu.memory_space<semaphore_mem>>) src(%dma_wait3A_118 : memref<16x2048xf32, #tpu.memory_space<hbm>>) dst(%dma_wait3A_115 : memref<16x2048xf32, #tpu.memory_space<vmem_shared>>)
        %mul3A_119 = arith.constant 16 : i32
        %mul3A_120 = arith.muli %sub3A_112, %mul3A_119 : i32
        %add3A_121 = arith.addi %mul3A_32, %mul3A_120 : i32
        %dma_start3A = arith.constant 0 : i32
        %dma_start3A_122 = tpu.memref_slice %arg4[%select_n3A, %add3A_121, %dma_start3A] : memref<4x4096x2048xf32, #tpu.memory_space<hbm>> -> memref<1x16x2048xf32, #tpu.memory_space<hbm>>
        %dma_start3A_123 = tpu.memref_squeeze %dma_start3A_122 : memref<1x16x2048xf32, #tpu.memory_space<hbm>> -> memref<16x2048xf32, #tpu.memory_space<hbm>>
        %dma_start3A_124 = arith.constant 32 : i32
        %dma_start3A_125 = arith.constant 0 : i32
        %dma_start3A_126 = tpu.memref_slice %arg6[%arg1, %dma_start3A_124, %dma_start3A_125] : memref<16x48x2048xf32, #tpu.memory_space<vmem_shared>> -> memref<1x16x2048xf32, #tpu.memory_space<vmem_shared>>
        %dma_start3A_127 = tpu.memref_squeeze %dma_start3A_126 : memref<1x16x2048xf32, #tpu.memory_space<vmem_shared>> -> memref<16x2048xf32, #tpu.memory_space<vmem_shared>>
        tpu.enqueue_dma source(%dma_start3A_127 : memref<16x2048xf32, #tpu.memory_space<vmem_shared>>) target(%dma_start3A_123 : memref<16x2048xf32, #tpu.memory_space<hbm>>) target_semaphore(%arg10 : memref<!tpu.dma_semaphore, #tpu.memory_space<semaphore_mem>>)
      } else {
      }
      %lt3A_81 = arith.constant 32 : i32
      %lt3A_82 = arith.cmpi slt, %add3A_64, %lt3A_81 : i32
      %convert_element_type3A_83 = arith.extui %lt3A_82 : i1 to i32
      %cond3A_84 = arith.constant 0 : i32
      %cond3A_85 = arith.cmpi ne, %convert_element_type3A_83, %cond3A_84 : i32
      scf.if %cond3A_85 {
        %mul3A_111 = arith.constant 16 : i32
        %mul3A_112 = arith.muli %add3A_64, %mul3A_111 : i32
        %get3A = arith.index_cast %mul3A_112 : i32 to index
        %get3A_113 = tpu.vector_load %arg5[%get3A] {strides = array<i32>} : memref<512xi32, #tpu.memory_space<vmem>>, vector<16xi32>,
        %get3A_114 = vector.shape_cast %get3A_113 : vector<16xi32> to vector<16xi32>
        %slice3A = vector.extract_strided_slice %get3A_114 {offsets = [0], sizes = [1], strides = [1]} : vector<16xi32> to vector<1xi32>
        %squeeze3A = vector.extract %slice3A[0] : i32 from vector<1xi32>
        %dma_start3A = arith.constant 16 : i32
        %dma_start3A_115 = arith.constant 0 : i32
        %dma_start3A_116 = tpu.memref_slice %arg6[%arg1, %dma_start3A, %dma_start3A_115] : memref<16x48x2048xf32, #tpu.memory_space<vmem_shared>> -> memref<1x1x2048xf32, #tpu.memory_space<vmem_shared>>
        %dma_start3A_117 = tpu.memref_squeeze %dma_start3A_116 : memref<1x1x2048xf32, #tpu.memory_space<vmem_shared>> -> memref<2048xf32, #tpu.memory_space<vmem_shared>>
        %dma_start3A_118 = arith.constant 0 : i32
        %dma_start3A_119 = tpu.memref_slice %arg3[%squeeze3A, %dma_start3A_118] : memref<8192x2048xf32, #tpu.memory_space<hbm>> -> memref<1x2048xf32, #tpu.memory_space<hbm>>
        %dma_start3A_120 = tpu.memref_squeeze %dma_start3A_119 : memref<1x2048xf32, #tpu.memory_space<hbm>> -> memref<2048xf32, #tpu.memory_space<hbm>>
        tpu.enqueue_dma source(%dma_start3A_120 : memref<2048xf32, #tpu.memory_space<hbm>>) target(%dma_start3A_117 : memref<2048xf32, #tpu.memory_space<vmem_shared>>) target_semaphore(%arg8 : memref<!tpu.dma_semaphore, #tpu.memory_space<semaphore_mem>>)
        %slice3A_121 = vector.extract_strided_slice %get3A_114 {offsets = [1], sizes = [1], strides = [1]} : vector<16xi32> to vector<1xi32>
        %squeeze3A_122 = vector.extract %slice3A_121[0] : i32 from vector<1xi32>
        %dma_start3A_123 = arith.constant 17 : i32
        %dma_start3A_124 = arith.constant 0 : i32
        %dma_start3A_125 = tpu.memref_slice %arg6[%arg1, %dma_start3A_123, %dma_start3A_124] : memref<16x48x2048xf32, #tpu.memory_space<vmem_shared>> -> memref<1x1x2048xf32, #tpu.memory_space<vmem_shared>>
        %dma_start3A_126 = tpu.memref_squeeze %dma_start3A_125 : memref<1x1x2048xf32, #tpu.memory_space<vmem_shared>> -> memref<2048xf32, #tpu.memory_space<vmem_shared>>
        %dma_start3A_127 = arith.constant 0 : i32
        %dma_start3A_128 = tpu.memref_slice %arg3[%squeeze3A_122, %dma_start3A_127] : memref<8192x2048xf32, #tpu.memory_space<hbm>> -> memref<1x2048xf32, #tpu.memory_space<hbm>>
        %dma_start3A_129 = tpu.memref_squeeze %dma_start3A_128 : memref<1x2048xf32, #tpu.memory_space<hbm>> -> memref<2048xf32, #tpu.memory_space<hbm>>
        tpu.enqueue_dma source(%dma_start3A_129 : memref<2048xf32, #tpu.memory_space<hbm>>) target(%dma_start3A_126 : memref<2048xf32, #tpu.memory_space<vmem_shared>>) target_semaphore(%arg8 : memref<!tpu.dma_semaphore, #tpu.memory_space<semaphore_mem>>)
        %slice3A_130 = vector.extract_strided_slice %get3A_114 {offsets = [2], sizes = [1], strides = [1]} : vector<16xi32> to vector<1xi32>
        %squeeze3A_131 = vector.extract %slice3A_130[0] : i32 from vector<1xi32>
        %dma_start3A_132 = arith.constant 18 : i32
        %dma_start3A_133 = arith.constant 0 : i32
        %dma_start3A_134 = tpu.memref_slice %arg6[%arg1, %dma_start3A_132, %dma_start3A_133] : memref<16x48x2048xf32, #tpu.memory_space<vmem_shared>> -> memref<1x1x2048xf32, #tpu.memory_space<vmem_shared>>
        %dma_start3A_135 = tpu.memref_squeeze %dma_start3A_134 : memref<1x1x2048xf32, #tpu.memory_space<vmem_shared>> -> memref<2048xf32, #tpu.memory_space<vmem_shared>>
        %dma_start3A_136 = arith.constant 0 : i32
        %dma_start3A_137 = tpu.memref_slice %arg3[%squeeze3A_131, %dma_start3A_136] : memref<8192x2048xf32, #tpu.memory_space<hbm>> -> memref<1x2048xf32, #tpu.memory_space<hbm>>
        %dma_start3A_138 = tpu.memref_squeeze %dma_start3A_137 : memref<1x2048xf32, #tpu.memory_space<hbm>> -> memref<2048xf32, #tpu.memory_space<hbm>>
        tpu.enqueue_dma source(%dma_start3A_138 : memref<2048xf32, #tpu.memory_space<hbm>>) target(%dma_start3A_135 : memref<2048xf32, #tpu.memory_space<vmem_shared>>) target_semaphore(%arg8 : memref<!tpu.dma_semaphore, #tpu.memory_space<semaphore_mem>>)
        %slice3A_139 = vector.extract_strided_slice %get3A_114 {offsets = [3], sizes = [1], strides = [1]} : vector<16xi32> to vector<1xi32>
        %squeeze3A_140 = vector.extract %slice3A_139[0] : i32 from vector<1xi32>
        %dma_start3A_141 = arith.constant 19 : i32
        %dma_start3A_142 = arith.constant 0 : i32
        %dma_start3A_143 = tpu.memref_slice %arg6[%arg1, %dma_start3A_141, %dma_start3A_142] : memref<16x48x2048xf32, #tpu.memory_space<vmem_shared>> -> memref<1x1x2048xf32, #tpu.memory_space<vmem_shared>>
        %dma_start3A_144 = tpu.memref_squeeze %dma_start3A_143 : memref<1x1x2048xf32, #tpu.memory_space<vmem_shared>> -> memref<2048xf32, #tpu.memory_space<vmem_shared>>
        %dma_start3A_145 = arith.constant 0 : i32
        %dma_start3A_146 = tpu.memref_slice %arg3[%squeeze3A_140, %dma_start3A_145] : memref<8192x2048xf32, #tpu.memory_space<hbm>> -> memref<1x2048xf32, #tpu.memory_space<hbm>>
        %dma_start3A_147 = tpu.memref_squeeze %dma_start3A_146 : memref<1x2048xf32, #tpu.memory_space<hbm>> -> memref<2048xf32, #tpu.memory_space<hbm>>
        tpu.enqueue_dma source(%dma_start3A_147 : memref<2048xf32, #tpu.memory_space<hbm>>) target(%dma_start3A_144 : memref<2048xf32, #tpu.memory_space<vmem_shared>>) target_semaphore(%arg8 : memref<!tpu.dma_semaphore, #tpu.memory_space<semaphore_mem>>)
        %slice3A_148 = vector.extract_strided_slice %get3A_114 {offsets = [4], sizes = [1], strides = [1]} : vector<16xi32> to vector<1xi32>
        %squeeze3A_149 = vector.extract %slice3A_148[0] : i32 from vector<1xi32>
        %dma_start3A_150 = arith.constant 20 : i32
        %dma_start3A_151 = arith.constant 0 : i32
        %dma_start3A_152 = tpu.memref_slice %arg6[%arg1, %dma_start3A_150, %dma_start3A_151] : memref<16x48x2048xf32, #tpu.memory_space<vmem_shared>> -> memref<1x1x2048xf32, #tpu.memory_space<vmem_shared>>
        %dma_start3A_153 = tpu.memref_squeeze %dma_start3A_152 : memref<1x1x2048xf32, #tpu.memory_space<vmem_shared>> -> memref<2048xf32, #tpu.memory_space<vmem_shared>>
        %dma_start3A_154 = arith.constant 0 : i32
        %dma_start3A_155 = tpu.memref_slice %arg3[%squeeze3A_149, %dma_start3A_154] : memref<8192x2048xf32, #tpu.memory_space<hbm>> -> memref<1x2048xf32, #tpu.memory_space<hbm>>
        %dma_start3A_156 = tpu.memref_squeeze %dma_start3A_155 : memref<1x2048xf32, #tpu.memory_space<hbm>> -> memref<2048xf32, #tpu.memory_space<hbm>>
        tpu.enqueue_dma source(%dma_start3A_156 : memref<2048xf32, #tpu.memory_space<hbm>>) target(%dma_start3A_153 : memref<2048xf32, #tpu.memory_space<vmem_shared>>) target_semaphore(%arg8 : memref<!tpu.dma_semaphore, #tpu.memory_space<semaphore_mem>>)
        %slice3A_157 = vector.extract_strided_slice %get3A_114 {offsets = [5], sizes = [1], strides = [1]} : vector<16xi32> to vector<1xi32>
        %squeeze3A_158 = vector.extract %slice3A_157[0] : i32 from vector<1xi32>
        %dma_start3A_159 = arith.constant 21 : i32
        %dma_start3A_160 = arith.constant 0 : i32
        %dma_start3A_161 = tpu.memref_slice %arg6[%arg1, %dma_start3A_159, %dma_start3A_160] : memref<16x48x2048xf32, #tpu.memory_space<vmem_shared>> -> memref<1x1x2048xf32, #tpu.memory_space<vmem_shared>>
        %dma_start3A_162 = tpu.memref_squeeze %dma_start3A_161 : memref<1x1x2048xf32, #tpu.memory_space<vmem_shared>> -> memref<2048xf32, #tpu.memory_space<vmem_shared>>
        %dma_start3A_163 = arith.constant 0 : i32
        %dma_start3A_164 = tpu.memref_slice %arg3[%squeeze3A_158, %dma_start3A_163] : memref<8192x2048xf32, #tpu.memory_space<hbm>> -> memref<1x2048xf32, #tpu.memory_space<hbm>>
        %dma_start3A_165 = tpu.memref_squeeze %dma_start3A_164 : memref<1x2048xf32, #tpu.memory_space<hbm>> -> memref<2048xf32, #tpu.memory_space<hbm>>
        tpu.enqueue_dma source(%dma_start3A_165 : memref<2048xf32, #tpu.memory_space<hbm>>) target(%dma_start3A_162 : memref<2048xf32, #tpu.memory_space<vmem_shared>>) target_semaphore(%arg8 : memref<!tpu.dma_semaphore, #tpu.memory_space<semaphore_mem>>)
        %slice3A_166 = vector.extract_strided_slice %get3A_114 {offsets = [6], sizes = [1], strides = [1]} : vector<16xi32> to vector<1xi32>
        %squeeze3A_167 = vector.extract %slice3A_166[0] : i32 from vector<1xi32>
        %dma_start3A_168 = arith.constant 22 : i32
        %dma_start3A_169 = arith.constant 0 : i32
        %dma_start3A_170 = tpu.memref_slice %arg6[%arg1, %dma_start3A_168, %dma_start3A_169] : memref<16x48x2048xf32, #tpu.memory_space<vmem_shared>> -> memref<1x1x2048xf32, #tpu.memory_space<vmem_shared>>
        %dma_start3A_171 = tpu.memref_squeeze %dma_start3A_170 : memref<1x1x2048xf32, #tpu.memory_space<vmem_shared>> -> memref<2048xf32, #tpu.memory_space<vmem_shared>>
        %dma_start3A_172 = arith.constant 0 : i32
        %dma_start3A_173 = tpu.memref_slice %arg3[%squeeze3A_167, %dma_start3A_172] : memref<8192x2048xf32, #tpu.memory_space<hbm>> -> memref<1x2048xf32, #tpu.memory_space<hbm>>
        %dma_start3A_174 = tpu.memref_squeeze %dma_start3A_173 : memref<1x2048xf32, #tpu.memory_space<hbm>> -> memref<2048xf32, #tpu.memory_space<hbm>>
        tpu.enqueue_dma source(%dma_start3A_174 : memref<2048xf32, #tpu.memory_space<hbm>>) target(%dma_start3A_171 : memref<2048xf32, #tpu.memory_space<vmem_shared>>) target_semaphore(%arg8 : memref<!tpu.dma_semaphore, #tpu.memory_space<semaphore_mem>>)
        %slice3A_175 = vector.extract_strided_slice %get3A_114 {offsets = [7], sizes = [1], strides = [1]} : vector<16xi32> to vector<1xi32>
        %squeeze3A_176 = vector.extract %slice3A_175[0] : i32 from vector<1xi32>
        %dma_start3A_177 = arith.constant 23 : i32
        %dma_start3A_178 = arith.constant 0 : i32
        %dma_start3A_179 = tpu.memref_slice %arg6[%arg1, %dma_start3A_177, %dma_start3A_178] : memref<16x48x2048xf32, #tpu.memory_space<vmem_shared>> -> memref<1x1x2048xf32, #tpu.memory_space<vmem_shared>>
        %dma_start3A_180 = tpu.memref_squeeze %dma_start3A_179 : memref<1x1x2048xf32, #tpu.memory_space<vmem_shared>> -> memref<2048xf32, #tpu.memory_space<vmem_shared>>
        %dma_start3A_181 = arith.constant 0 : i32
        %dma_start3A_182 = tpu.memref_slice %arg3[%squeeze3A_176, %dma_start3A_181] : memref<8192x2048xf32, #tpu.memory_space<hbm>> -> memref<1x2048xf32, #tpu.memory_space<hbm>>
        %dma_start3A_183 = tpu.memref_squeeze %dma_start3A_182 : memref<1x2048xf32, #tpu.memory_space<hbm>> -> memref<2048xf32, #tpu.memory_space<hbm>>
        tpu.enqueue_dma source(%dma_start3A_183 : memref<2048xf32, #tpu.memory_space<hbm>>) target(%dma_start3A_180 : memref<2048xf32, #tpu.memory_space<vmem_shared>>) target_semaphore(%arg8 : memref<!tpu.dma_semaphore, #tpu.memory_space<semaphore_mem>>)
        %slice3A_184 = vector.extract_strided_slice %get3A_114 {offsets = [8], sizes = [1], strides = [1]} : vector<16xi32> to vector<1xi32>
        %squeeze3A_185 = vector.extract %slice3A_184[0] : i32 from vector<1xi32>
        %dma_start3A_186 = arith.constant 24 : i32
        %dma_start3A_187 = arith.constant 0 : i32
        %dma_start3A_188 = tpu.memref_slice %arg6[%arg1, %dma_start3A_186, %dma_start3A_187] : memref<16x48x2048xf32, #tpu.memory_space<vmem_shared>> -> memref<1x1x2048xf32, #tpu.memory_space<vmem_shared>>
        %dma_start3A_189 = tpu.memref_squeeze %dma_start3A_188 : memref<1x1x2048xf32, #tpu.memory_space<vmem_shared>> -> memref<2048xf32, #tpu.memory_space<vmem_shared>>
        %dma_start3A_190 = arith.constant 0 : i32
        %dma_start3A_191 = tpu.memref_slice %arg3[%squeeze3A_185, %dma_start3A_190] : memref<8192x2048xf32, #tpu.memory_space<hbm>> -> memref<1x2048xf32, #tpu.memory_space<hbm>>
        %dma_start3A_192 = tpu.memref_squeeze %dma_start3A_191 : memref<1x2048xf32, #tpu.memory_space<hbm>> -> memref<2048xf32, #tpu.memory_space<hbm>>
        tpu.enqueue_dma source(%dma_start3A_192 : memref<2048xf32, #tpu.memory_space<hbm>>) target(%dma_start3A_189 : memref<2048xf32, #tpu.memory_space<vmem_shared>>) target_semaphore(%arg8 : memref<!tpu.dma_semaphore, #tpu.memory_space<semaphore_mem>>)
        %slice3A_193 = vector.extract_strided_slice %get3A_114 {offsets = [9], sizes = [1], strides = [1]} : vector<16xi32> to vector<1xi32>
        %squeeze3A_194 = vector.extract %slice3A_193[0] : i32 from vector<1xi32>
        %dma_start3A_195 = arith.constant 25 : i32
        %dma_start3A_196 = arith.constant 0 : i32
        %dma_start3A_197 = tpu.memref_slice %arg6[%arg1, %dma_start3A_195, %dma_start3A_196] : memref<16x48x2048xf32, #tpu.memory_space<vmem_shared>> -> memref<1x1x2048xf32, #tpu.memory_space<vmem_shared>>
        %dma_start3A_198 = tpu.memref_squeeze %dma_start3A_197 : memref<1x1x2048xf32, #tpu.memory_space<vmem_shared>> -> memref<2048xf32, #tpu.memory_space<vmem_shared>>
        %dma_start3A_199 = arith.constant 0 : i32
        %dma_start3A_200 = tpu.memref_slice %arg3[%squeeze3A_194, %dma_start3A_199] : memref<8192x2048xf32, #tpu.memory_space<hbm>> -> memref<1x2048xf32, #tpu.memory_space<hbm>>
        %dma_start3A_201 = tpu.memref_squeeze %dma_start3A_200 : memref<1x2048xf32, #tpu.memory_space<hbm>> -> memref<2048xf32, #tpu.memory_space<hbm>>
        tpu.enqueue_dma source(%dma_start3A_201 : memref<2048xf32, #tpu.memory_space<hbm>>) target(%dma_start3A_198 : memref<2048xf32, #tpu.memory_space<vmem_shared>>) target_semaphore(%arg8 : memref<!tpu.dma_semaphore, #tpu.memory_space<semaphore_mem>>)
        %slice3A_202 = vector.extract_strided_slice %get3A_114 {offsets = [10], sizes = [1], strides = [1]} : vector<16xi32> to vector<1xi32>
        %squeeze3A_203 = vector.extract %slice3A_202[0] : i32 from vector<1xi32>
        %dma_start3A_204 = arith.constant 26 : i32
        %dma_start3A_205 = arith.constant 0 : i32
        %dma_start3A_206 = tpu.memref_slice %arg6[%arg1, %dma_start3A_204, %dma_start3A_205] : memref<16x48x2048xf32, #tpu.memory_space<vmem_shared>> -> memref<1x1x2048xf32, #tpu.memory_space<vmem_shared>>
        %dma_start3A_207 = tpu.memref_squeeze %dma_start3A_206 : memref<1x1x2048xf32, #tpu.memory_space<vmem_shared>> -> memref<2048xf32, #tpu.memory_space<vmem_shared>>
        %dma_start3A_208 = arith.constant 0 : i32
        %dma_start3A_209 = tpu.memref_slice %arg3[%squeeze3A_203, %dma_start3A_208] : memref<8192x2048xf32, #tpu.memory_space<hbm>> -> memref<1x2048xf32, #tpu.memory_space<hbm>>
        %dma_start3A_210 = tpu.memref_squeeze %dma_start3A_209 : memref<1x2048xf32, #tpu.memory_space<hbm>> -> memref<2048xf32, #tpu.memory_space<hbm>>
        tpu.enqueue_dma source(%dma_start3A_210 : memref<2048xf32, #tpu.memory_space<hbm>>) target(%dma_start3A_207 : memref<2048xf32, #tpu.memory_space<vmem_shared>>) target_semaphore(%arg8 : memref<!tpu.dma_semaphore, #tpu.memory_space<semaphore_mem>>)
        %slice3A_211 = vector.extract_strided_slice %get3A_114 {offsets = [11], sizes = [1], strides = [1]} : vector<16xi32> to vector<1xi32>
        %squeeze3A_212 = vector.extract %slice3A_211[0] : i32 from vector<1xi32>
        %dma_start3A_213 = arith.constant 27 : i32
        %dma_start3A_214 = arith.constant 0 : i32
        %dma_start3A_215 = tpu.memref_slice %arg6[%arg1, %dma_start3A_213, %dma_start3A_214] : memref<16x48x2048xf32, #tpu.memory_space<vmem_shared>> -> memref<1x1x2048xf32, #tpu.memory_space<vmem_shared>>
        %dma_start3A_216 = tpu.memref_squeeze %dma_start3A_215 : memref<1x1x2048xf32, #tpu.memory_space<vmem_shared>> -> memref<2048xf32, #tpu.memory_space<vmem_shared>>
        %dma_start3A_217 = arith.constant 0 : i32
        %dma_start3A_218 = tpu.memref_slice %arg3[%squeeze3A_212, %dma_start3A_217] : memref<8192x2048xf32, #tpu.memory_space<hbm>> -> memref<1x2048xf32, #tpu.memory_space<hbm>>
        %dma_start3A_219 = tpu.memref_squeeze %dma_start3A_218 : memref<1x2048xf32, #tpu.memory_space<hbm>> -> memref<2048xf32, #tpu.memory_space<hbm>>
        tpu.enqueue_dma source(%dma_start3A_219 : memref<2048xf32, #tpu.memory_space<hbm>>) target(%dma_start3A_216 : memref<2048xf32, #tpu.memory_space<vmem_shared>>) target_semaphore(%arg8 : memref<!tpu.dma_semaphore, #tpu.memory_space<semaphore_mem>>)
        %slice3A_220 = vector.extract_strided_slice %get3A_114 {offsets = [12], sizes = [1], strides = [1]} : vector<16xi32> to vector<1xi32>
        %squeeze3A_221 = vector.extract %slice3A_220[0] : i32 from vector<1xi32>
        %dma_start3A_222 = arith.constant 28 : i32
        %dma_start3A_223 = arith.constant 0 : i32
        %dma_start3A_224 = tpu.memref_slice %arg6[%arg1, %dma_start3A_222, %dma_start3A_223] : memref<16x48x2048xf32, #tpu.memory_space<vmem_shared>> -> memref<1x1x2048xf32, #tpu.memory_space<vmem_shared>>
        %dma_start3A_225 = tpu.memref_squeeze %dma_start3A_224 : memref<1x1x2048xf32, #tpu.memory_space<vmem_shared>> -> memref<2048xf32, #tpu.memory_space<vmem_shared>>
        %dma_start3A_226 = arith.constant 0 : i32
        %dma_start3A_227 = tpu.memref_slice %arg3[%squeeze3A_221, %dma_start3A_226] : memref<8192x2048xf32, #tpu.memory_space<hbm>> -> memref<1x2048xf32, #tpu.memory_space<hbm>>
        %dma_start3A_228 = tpu.memref_squeeze %dma_start3A_227 : memref<1x2048xf32, #tpu.memory_space<hbm>> -> memref<2048xf32, #tpu.memory_space<hbm>>
        tpu.enqueue_dma source(%dma_start3A_228 : memref<2048xf32, #tpu.memory_space<hbm>>) target(%dma_start3A_225 : memref<2048xf32, #tpu.memory_space<vmem_shared>>) target_semaphore(%arg8 : memref<!tpu.dma_semaphore, #tpu.memory_space<semaphore_mem>>)
        %slice3A_229 = vector.extract_strided_slice %get3A_114 {offsets = [13], sizes = [1], strides = [1]} : vector<16xi32> to vector<1xi32>
        %squeeze3A_230 = vector.extract %slice3A_229[0] : i32 from vector<1xi32>
        %dma_start3A_231 = arith.constant 29 : i32
        %dma_start3A_232 = arith.constant 0 : i32
        %dma_start3A_233 = tpu.memref_slice %arg6[%arg1, %dma_start3A_231, %dma_start3A_232] : memref<16x48x2048xf32, #tpu.memory_space<vmem_shared>> -> memref<1x1x2048xf32, #tpu.memory_space<vmem_shared>>
        %dma_start3A_234 = tpu.memref_squeeze %dma_start3A_233 : memref<1x1x2048xf32, #tpu.memory_space<vmem_shared>> -> memref<2048xf32, #tpu.memory_space<vmem_shared>>
        %dma_start3A_235 = arith.constant 0 : i32
        %dma_start3A_236 = tpu.memref_slice %arg3[%squeeze3A_230, %dma_start3A_235] : memref<8192x2048xf32, #tpu.memory_space<hbm>> -> memref<1x2048xf32, #tpu.memory_space<hbm>>
        %dma_start3A_237 = tpu.memref_squeeze %dma_start3A_236 : memref<1x2048xf32, #tpu.memory_space<hbm>> -> memref<2048xf32, #tpu.memory_space<hbm>>
        tpu.enqueue_dma source(%dma_start3A_237 : memref<2048xf32, #tpu.memory_space<hbm>>) target(%dma_start3A_234 : memref<2048xf32, #tpu.memory_space<vmem_shared>>) target_semaphore(%arg8 : memref<!tpu.dma_semaphore, #tpu.memory_space<semaphore_mem>>)
        %slice3A_238 = vector.extract_strided_slice %get3A_114 {offsets = [14], sizes = [1], strides = [1]} : vector<16xi32> to vector<1xi32>
        %squeeze3A_239 = vector.extract %slice3A_238[0] : i32 from vector<1xi32>
        %dma_start3A_240 = arith.constant 30 : i32
        %dma_start3A_241 = arith.constant 0 : i32
        %dma_start3A_242 = tpu.memref_slice %arg6[%arg1, %dma_start3A_240, %dma_start3A_241] : memref<16x48x2048xf32, #tpu.memory_space<vmem_shared>> -> memref<1x1x2048xf32, #tpu.memory_space<vmem_shared>>
        %dma_start3A_243 = tpu.memref_squeeze %dma_start3A_242 : memref<1x1x2048xf32, #tpu.memory_space<vmem_shared>> -> memref<2048xf32, #tpu.memory_space<vmem_shared>>
        %dma_start3A_244 = arith.constant 0 : i32
        %dma_start3A_245 = tpu.memref_slice %arg3[%squeeze3A_239, %dma_start3A_244] : memref<8192x2048xf32, #tpu.memory_space<hbm>> -> memref<1x2048xf32, #tpu.memory_space<hbm>>
        %dma_start3A_246 = tpu.memref_squeeze %dma_start3A_245 : memref<1x2048xf32, #tpu.memory_space<hbm>> -> memref<2048xf32, #tpu.memory_space<hbm>>
        tpu.enqueue_dma source(%dma_start3A_246 : memref<2048xf32, #tpu.memory_space<hbm>>) target(%dma_start3A_243 : memref<2048xf32, #tpu.memory_space<vmem_shared>>) target_semaphore(%arg8 : memref<!tpu.dma_semaphore, #tpu.memory_space<semaphore_mem>>)
        %slice3A_247 = vector.extract_strided_slice %get3A_114 {offsets = [15], sizes = [1], strides = [1]} : vector<16xi32> to vector<1xi32>
        %squeeze3A_248 = vector.extract %slice3A_247[0] : i32 from vector<1xi32>
        %dma_start3A_249 = arith.constant 31 : i32
        %dma_start3A_250 = arith.constant 0 : i32
        %dma_start3A_251 = tpu.memref_slice %arg6[%arg1, %dma_start3A_249, %dma_start3A_250] : memref<16x48x2048xf32, #tpu.memory_space<vmem_shared>> -> memref<1x1x2048xf32, #tpu.memory_space<vmem_shared>>
        %dma_start3A_252 = tpu.memref_squeeze %dma_start3A_251 : memref<1x1x2048xf32, #tpu.memory_space<vmem_shared>> -> memref<2048xf32, #tpu.memory_space<vmem_shared>>
        %dma_start3A_253 = arith.constant 0 : i32
        %dma_start3A_254 = tpu.memref_slice %arg3[%squeeze3A_248, %dma_start3A_253] : memref<8192x2048xf32, #tpu.memory_space<hbm>> -> memref<1x2048xf32, #tpu.memory_space<hbm>>
        %dma_start3A_255 = tpu.memref_squeeze %dma_start3A_254 : memref<1x2048xf32, #tpu.memory_space<hbm>> -> memref<2048xf32, #tpu.memory_space<hbm>>
        tpu.enqueue_dma source(%dma_start3A_255 : memref<2048xf32, #tpu.memory_space<hbm>>) target(%dma_start3A_252 : memref<2048xf32, #tpu.memory_space<vmem_shared>>) target_semaphore(%arg8 : memref<!tpu.dma_semaphore, #tpu.memory_space<semaphore_mem>>)
      } else {
      }
      %mul3A_86 = arith.constant 3 : i32
      %mul3A_87 = arith.muli %scan3A_38, %mul3A_86 : i32
      %add3A_88 = arith.constant 2 : i32
      %add3A_89 = arith.addi %mul3A_87, %add3A_88 : i32
      %ge3A_90 = arith.constant 3 : i32
      %ge3A_91 = arith.cmpi sge, %add3A_89, %ge3A_90 : i32
      %lt3A_92 = arith.constant 35 : i32
      %lt3A_93 = arith.cmpi slt, %add3A_89, %lt3A_92 : i32
      %and3A_94 = arith.andi %ge3A_91, %lt3A_93 : i1
      %convert_element_type3A_95 = arith.extui %and3A_94 : i1 to i32
      %cond3A_96 = arith.constant 0 : i32
      %cond3A_97 = arith.cmpi ne, %convert_element_type3A_95, %cond3A_96 : i32
      scf.if %cond3A_97 {
        %dma_wait3A = arith.constant 0 : i32
        %dma_wait3A_111 = tpu.memref_slice %arg4[%select_n3A, %mul3A_32, %dma_wait3A] : memref<4x4096x2048xf32, #tpu.memory_space<hbm>> -> memref<1x16x2048xf32, #tpu.memory_space<hbm>>
        %dma_wait3A_112 = tpu.memref_squeeze %dma_wait3A_111 : memref<1x16x2048xf32, #tpu.memory_space<hbm>> -> memref<16x2048xf32, #tpu.memory_space<hbm>>
        %dma_wait3A_113 = arith.constant 0 : i32
        %dma_wait3A_114 = arith.constant 0 : i32
        %dma_wait3A_115 = tpu.memref_slice %arg6[%arg1, %dma_wait3A_113, %dma_wait3A_114] : memref<16x48x2048xf32, #tpu.memory_space<vmem_shared>> -> memref<1x16x2048xf32, #tpu.memory_space<vmem_shared>>
        %dma_wait3A_116 = tpu.memref_squeeze %dma_wait3A_115 : memref<1x16x2048xf32, #tpu.memory_space<vmem_shared>> -> memref<16x2048xf32, #tpu.memory_space<vmem_shared>>
        tpu.wait_dma2 semaphore(%arg10 : memref<!tpu.dma_semaphore, #tpu.memory_space<semaphore_mem>>) src(%dma_wait3A_116 : memref<16x2048xf32, #tpu.memory_space<vmem_shared>>) dst(%dma_wait3A_112 : memref<16x2048xf32, #tpu.memory_space<hbm>>)
      } else {
      }
      %ge3A_98 = arith.constant 2 : i32
      %ge3A_99 = arith.cmpi sge, %add3A_89, %ge3A_98 : i32
      %lt3A_100 = arith.constant 34 : i32
      %lt3A_101 = arith.cmpi slt, %add3A_89, %lt3A_100 : i32
      %and3A_102 = arith.andi %ge3A_99, %lt3A_101 : i1
      %convert_element_type3A_103 = arith.extui %and3A_102 : i1 to i32
      %cond3A_104 = arith.constant 0 : i32
      %cond3A_105 = arith.cmpi ne, %convert_element_type3A_103, %cond3A_104 : i32
      scf.if %cond3A_105 {
        %sub3A_111 = arith.constant 2 : i32
        %sub3A_112 = arith.subi %add3A_89, %sub3A_111 : i32
        %dma_wait3A = arith.constant 0 : i32
        %dma_wait3A_113 = arith.constant 0 : i32
        %dma_wait3A_114 = tpu.memref_slice %arg6[%arg1, %dma_wait3A, %dma_wait3A_113] : memref<16x48x2048xf32, #tpu.memory_space<vmem_shared>> -> memref<1x16x2048xf32, #tpu.memory_space<vmem_shared>>
        %dma_wait3A_115 = tpu.memref_squeeze %dma_wait3A_114 : memref<1x16x2048xf32, #tpu.memory_space<vmem_shared>> -> memref<16x2048xf32, #tpu.memory_space<vmem_shared>>
        %dma_wait3A_116 = arith.constant 0 : i32
        %dma_wait3A_117 = arith.constant 0 : i32
        %dma_wait3A_118 = tpu.memref_slice %arg3[%dma_wait3A_116, %dma_wait3A_117] : memref<8192x2048xf32, #tpu.memory_space<hbm>> -> memref<16x2048xf32, #tpu.memory_space<hbm>>
        tpu.wait_dma2 semaphore(%arg7 : memref<!tpu.dma_semaphore, #tpu.memory_space<semaphore_mem>>) src(%dma_wait3A_118 : memref<16x2048xf32, #tpu.memory_space<hbm>>) dst(%dma_wait3A_115 : memref<16x2048xf32, #tpu.memory_space<vmem_shared>>)
        %mul3A_119 = arith.constant 16 : i32
        %mul3A_120 = arith.muli %sub3A_112, %mul3A_119 : i32
        %add3A_121 = arith.addi %mul3A_32, %mul3A_120 : i32
        %dma_start3A = arith.constant 0 : i32
        %dma_start3A_122 = tpu.memref_slice %arg4[%select_n3A, %add3A_121, %dma_start3A] : memref<4x4096x2048xf32, #tpu.memory_space<hbm>> -> memref<1x16x2048xf32, #tpu.memory_space<hbm>>
        %dma_start3A_123 = tpu.memref_squeeze %dma_start3A_122 : memref<1x16x2048xf32, #tpu.memory_space<hbm>> -> memref<16x2048xf32, #tpu.memory_space<hbm>>
        %dma_start3A_124 = arith.constant 0 : i32
        %dma_start3A_125 = arith.constant 0 : i32
        %dma_start3A_126 = tpu.memref_slice %arg6[%arg1, %dma_start3A_124, %dma_start3A_125] : memref<16x48x2048xf32, #tpu.memory_space<vmem_shared>> -> memref<1x16x2048xf32, #tpu.memory_space<vmem_shared>>
        %dma_start3A_127 = tpu.memref_squeeze %dma_start3A_126 : memref<1x16x2048xf32, #tpu.memory_space<vmem_shared>> -> memref<16x2048xf32, #tpu.memory_space<vmem_shared>>
        tpu.enqueue_dma source(%dma_start3A_127 : memref<16x2048xf32, #tpu.memory_space<vmem_shared>>) target(%dma_start3A_123 : memref<16x2048xf32, #tpu.memory_space<hbm>>) target_semaphore(%arg10 : memref<!tpu.dma_semaphore, #tpu.memory_space<semaphore_mem>>)
      } else {
      }
      %lt3A_106 = arith.constant 32 : i32
      %lt3A_107 = arith.cmpi slt, %add3A_89, %lt3A_106 : i32
      %convert_element_type3A_108 = arith.extui %lt3A_107 : i1 to i32
      %cond3A_109 = arith.constant 0 : i32
      %cond3A_110 = arith.cmpi ne, %convert_element_type3A_108, %cond3A_109 : i32
      scf.if %cond3A_110 {
        %mul3A_111 = arith.constant 16 : i32
        %mul3A_112 = arith.muli %add3A_89, %mul3A_111 : i32
        %get3A = arith.index_cast %mul3A_112 : i32 to index
        %get3A_113 = tpu.vector_load %arg5[%get3A] {strides = array<i32>} : memref<512xi32, #tpu.memory_space<vmem>>, vector<16xi32>,
        %get3A_114 = vector.shape_cast %get3A_113 : vector<16xi32> to vector<16xi32>
        %slice3A = vector.extract_strided_slice %get3A_114 {offsets = [0], sizes = [1], strides = [1]} : vector<16xi32> to vector<1xi32>
        %squeeze3A = vector.extract %slice3A[0] : i32 from vector<1xi32>
        %dma_start3A = arith.constant 32 : i32
        %dma_start3A_115 = arith.constant 0 : i32
        %dma_start3A_116 = tpu.memref_slice %arg6[%arg1, %dma_start3A, %dma_start3A_115] : memref<16x48x2048xf32, #tpu.memory_space<vmem_shared>> -> memref<1x1x2048xf32, #tpu.memory_space<vmem_shared>>
        %dma_start3A_117 = tpu.memref_squeeze %dma_start3A_116 : memref<1x1x2048xf32, #tpu.memory_space<vmem_shared>> -> memref<2048xf32, #tpu.memory_space<vmem_shared>>
        %dma_start3A_118 = arith.constant 0 : i32
        %dma_start3A_119 = tpu.memref_slice %arg3[%squeeze3A, %dma_start3A_118] : memref<8192x2048xf32, #tpu.memory_space<hbm>> -> memref<1x2048xf32, #tpu.memory_space<hbm>>
        %dma_start3A_120 = tpu.memref_squeeze %dma_start3A_119 : memref<1x2048xf32, #tpu.memory_space<hbm>> -> memref<2048xf32, #tpu.memory_space<hbm>>
        tpu.enqueue_dma source(%dma_start3A_120 : memref<2048xf32, #tpu.memory_space<hbm>>) target(%dma_start3A_117 : memref<2048xf32, #tpu.memory_space<vmem_shared>>) target_semaphore(%arg9 : memref<!tpu.dma_semaphore, #tpu.memory_space<semaphore_mem>>)
        %slice3A_121 = vector.extract_strided_slice %get3A_114 {offsets = [1], sizes = [1], strides = [1]} : vector<16xi32> to vector<1xi32>
        %squeeze3A_122 = vector.extract %slice3A_121[0] : i32 from vector<1xi32>
        %dma_start3A_123 = arith.constant 33 : i32
        %dma_start3A_124 = arith.constant 0 : i32
        %dma_start3A_125 = tpu.memref_slice %arg6[%arg1, %dma_start3A_123, %dma_start3A_124] : memref<16x48x2048xf32, #tpu.memory_space<vmem_shared>> -> memref<1x1x2048xf32, #tpu.memory_space<vmem_shared>>
        %dma_start3A_126 = tpu.memref_squeeze %dma_start3A_125 : memref<1x1x2048xf32, #tpu.memory_space<vmem_shared>> -> memref<2048xf32, #tpu.memory_space<vmem_shared>>
        %dma_start3A_127 = arith.constant 0 : i32
        %dma_start3A_128 = tpu.memref_slice %arg3[%squeeze3A_122, %dma_start3A_127] : memref<8192x2048xf32, #tpu.memory_space<hbm>> -> memref<1x2048xf32, #tpu.memory_space<hbm>>
        %dma_start3A_129 = tpu.memref_squeeze %dma_start3A_128 : memref<1x2048xf32, #tpu.memory_space<hbm>> -> memref<2048xf32, #tpu.memory_space<hbm>>
        tpu.enqueue_dma source(%dma_start3A_129 : memref<2048xf32, #tpu.memory_space<hbm>>) target(%dma_start3A_126 : memref<2048xf32, #tpu.memory_space<vmem_shared>>) target_semaphore(%arg9 : memref<!tpu.dma_semaphore, #tpu.memory_space<semaphore_mem>>)
        %slice3A_130 = vector.extract_strided_slice %get3A_114 {offsets = [2], sizes = [1], strides = [1]} : vector<16xi32> to vector<1xi32>
        %squeeze3A_131 = vector.extract %slice3A_130[0] : i32 from vector<1xi32>
        %dma_start3A_132 = arith.constant 34 : i32
        %dma_start3A_133 = arith.constant 0 : i32
        %dma_start3A_134 = tpu.memref_slice %arg6[%arg1, %dma_start3A_132, %dma_start3A_133] : memref<16x48x2048xf32, #tpu.memory_space<vmem_shared>> -> memref<1x1x2048xf32, #tpu.memory_space<vmem_shared>>
        %dma_start3A_135 = tpu.memref_squeeze %dma_start3A_134 : memref<1x1x2048xf32, #tpu.memory_space<vmem_shared>> -> memref<2048xf32, #tpu.memory_space<vmem_shared>>
        %dma_start3A_136 = arith.constant 0 : i32
        %dma_start3A_137 = tpu.memref_slice %arg3[%squeeze3A_131, %dma_start3A_136] : memref<8192x2048xf32, #tpu.memory_space<hbm>> -> memref<1x2048xf32, #tpu.memory_space<hbm>>
        %dma_start3A_138 = tpu.memref_squeeze %dma_start3A_137 : memref<1x2048xf32, #tpu.memory_space<hbm>> -> memref<2048xf32, #tpu.memory_space<hbm>>
        tpu.enqueue_dma source(%dma_start3A_138 : memref<2048xf32, #tpu.memory_space<hbm>>) target(%dma_start3A_135 : memref<2048xf32, #tpu.memory_space<vmem_shared>>) target_semaphore(%arg9 : memref<!tpu.dma_semaphore, #tpu.memory_space<semaphore_mem>>)
        %slice3A_139 = vector.extract_strided_slice %get3A_114 {offsets = [3], sizes = [1], strides = [1]} : vector<16xi32> to vector<1xi32>
        %squeeze3A_140 = vector.extract %slice3A_139[0] : i32 from vector<1xi32>
        %dma_start3A_141 = arith.constant 35 : i32
        %dma_start3A_142 = arith.constant 0 : i32
        %dma_start3A_143 = tpu.memref_slice %arg6[%arg1, %dma_start3A_141, %dma_start3A_142] : memref<16x48x2048xf32, #tpu.memory_space<vmem_shared>> -> memref<1x1x2048xf32, #tpu.memory_space<vmem_shared>>
        %dma_start3A_144 = tpu.memref_squeeze %dma_start3A_143 : memref<1x1x2048xf32, #tpu.memory_space<vmem_shared>> -> memref<2048xf32, #tpu.memory_space<vmem_shared>>
        %dma_start3A_145 = arith.constant 0 : i32
        %dma_start3A_146 = tpu.memref_slice %arg3[%squeeze3A_140, %dma_start3A_145] : memref<8192x2048xf32, #tpu.memory_space<hbm>> -> memref<1x2048xf32, #tpu.memory_space<hbm>>
        %dma_start3A_147 = tpu.memref_squeeze %dma_start3A_146 : memref<1x2048xf32, #tpu.memory_space<hbm>> -> memref<2048xf32, #tpu.memory_space<hbm>>
        tpu.enqueue_dma source(%dma_start3A_147 : memref<2048xf32, #tpu.memory_space<hbm>>) target(%dma_start3A_144 : memref<2048xf32, #tpu.memory_space<vmem_shared>>) target_semaphore(%arg9 : memref<!tpu.dma_semaphore, #tpu.memory_space<semaphore_mem>>)
        %slice3A_148 = vector.extract_strided_slice %get3A_114 {offsets = [4], sizes = [1], strides = [1]} : vector<16xi32> to vector<1xi32>
        %squeeze3A_149 = vector.extract %slice3A_148[0] : i32 from vector<1xi32>
        %dma_start3A_150 = arith.constant 36 : i32
        %dma_start3A_151 = arith.constant 0 : i32
        %dma_start3A_152 = tpu.memref_slice %arg6[%arg1, %dma_start3A_150, %dma_start3A_151] : memref<16x48x2048xf32, #tpu.memory_space<vmem_shared>> -> memref<1x1x2048xf32, #tpu.memory_space<vmem_shared>>
        %dma_start3A_153 = tpu.memref_squeeze %dma_start3A_152 : memref<1x1x2048xf32, #tpu.memory_space<vmem_shared>> -> memref<2048xf32, #tpu.memory_space<vmem_shared>>
        %dma_start3A_154 = arith.constant 0 : i32
        %dma_start3A_155 = tpu.memref_slice %arg3[%squeeze3A_149, %dma_start3A_154] : memref<8192x2048xf32, #tpu.memory_space<hbm>> -> memref<1x2048xf32, #tpu.memory_space<hbm>>
        %dma_start3A_156 = tpu.memref_squeeze %dma_start3A_155 : memref<1x2048xf32, #tpu.memory_space<hbm>> -> memref<2048xf32, #tpu.memory_space<hbm>>
        tpu.enqueue_dma source(%dma_start3A_156 : memref<2048xf32, #tpu.memory_space<hbm>>) target(%dma_start3A_153 : memref<2048xf32, #tpu.memory_space<vmem_shared>>) target_semaphore(%arg9 : memref<!tpu.dma_semaphore, #tpu.memory_space<semaphore_mem>>)
        %slice3A_157 = vector.extract_strided_slice %get3A_114 {offsets = [5], sizes = [1], strides = [1]} : vector<16xi32> to vector<1xi32>
        %squeeze3A_158 = vector.extract %slice3A_157[0] : i32 from vector<1xi32>
        %dma_start3A_159 = arith.constant 37 : i32
        %dma_start3A_160 = arith.constant 0 : i32
        %dma_start3A_161 = tpu.memref_slice %arg6[%arg1, %dma_start3A_159, %dma_start3A_160] : memref<16x48x2048xf32, #tpu.memory_space<vmem_shared>> -> memref<1x1x2048xf32, #tpu.memory_space<vmem_shared>>
        %dma_start3A_162 = tpu.memref_squeeze %dma_start3A_161 : memref<1x1x2048xf32, #tpu.memory_space<vmem_shared>> -> memref<2048xf32, #tpu.memory_space<vmem_shared>>
        %dma_start3A_163 = arith.constant 0 : i32
        %dma_start3A_164 = tpu.memref_slice %arg3[%squeeze3A_158, %dma_start3A_163] : memref<8192x2048xf32, #tpu.memory_space<hbm>> -> memref<1x2048xf32, #tpu.memory_space<hbm>>
        %dma_start3A_165 = tpu.memref_squeeze %dma_start3A_164 : memref<1x2048xf32, #tpu.memory_space<hbm>> -> memref<2048xf32, #tpu.memory_space<hbm>>
        tpu.enqueue_dma source(%dma_start3A_165 : memref<2048xf32, #tpu.memory_space<hbm>>) target(%dma_start3A_162 : memref<2048xf32, #tpu.memory_space<vmem_shared>>) target_semaphore(%arg9 : memref<!tpu.dma_semaphore, #tpu.memory_space<semaphore_mem>>)
        %slice3A_166 = vector.extract_strided_slice %get3A_114 {offsets = [6], sizes = [1], strides = [1]} : vector<16xi32> to vector<1xi32>
        %squeeze3A_167 = vector.extract %slice3A_166[0] : i32 from vector<1xi32>
        %dma_start3A_168 = arith.constant 38 : i32
        %dma_start3A_169 = arith.constant 0 : i32
        %dma_start3A_170 = tpu.memref_slice %arg6[%arg1, %dma_start3A_168, %dma_start3A_169] : memref<16x48x2048xf32, #tpu.memory_space<vmem_shared>> -> memref<1x1x2048xf32, #tpu.memory_space<vmem_shared>>
        %dma_start3A_171 = tpu.memref_squeeze %dma_start3A_170 : memref<1x1x2048xf32, #tpu.memory_space<vmem_shared>> -> memref<2048xf32, #tpu.memory_space<vmem_shared>>
        %dma_start3A_172 = arith.constant 0 : i32
        %dma_start3A_173 = tpu.memref_slice %arg3[%squeeze3A_167, %dma_start3A_172] : memref<8192x2048xf32, #tpu.memory_space<hbm>> -> memref<1x2048xf32, #tpu.memory_space<hbm>>
        %dma_start3A_174 = tpu.memref_squeeze %dma_start3A_173 : memref<1x2048xf32, #tpu.memory_space<hbm>> -> memref<2048xf32, #tpu.memory_space<hbm>>
        tpu.enqueue_dma source(%dma_start3A_174 : memref<2048xf32, #tpu.memory_space<hbm>>) target(%dma_start3A_171 : memref<2048xf32, #tpu.memory_space<vmem_shared>>) target_semaphore(%arg9 : memref<!tpu.dma_semaphore, #tpu.memory_space<semaphore_mem>>)
        %slice3A_175 = vector.extract_strided_slice %get3A_114 {offsets = [7], sizes = [1], strides = [1]} : vector<16xi32> to vector<1xi32>
        %squeeze3A_176 = vector.extract %slice3A_175[0] : i32 from vector<1xi32>
        %dma_start3A_177 = arith.constant 39 : i32
        %dma_start3A_178 = arith.constant 0 : i32
        %dma_start3A_179 = tpu.memref_slice %arg6[%arg1, %dma_start3A_177, %dma_start3A_178] : memref<16x48x2048xf32, #tpu.memory_space<vmem_shared>> -> memref<1x1x2048xf32, #tpu.memory_space<vmem_shared>>
        %dma_start3A_180 = tpu.memref_squeeze %dma_start3A_179 : memref<1x1x2048xf32, #tpu.memory_space<vmem_shared>> -> memref<2048xf32, #tpu.memory_space<vmem_shared>>
        %dma_start3A_181 = arith.constant 0 : i32
        %dma_start3A_182 = tpu.memref_slice %arg3[%squeeze3A_176, %dma_start3A_181] : memref<8192x2048xf32, #tpu.memory_space<hbm>> -> memref<1x2048xf32, #tpu.memory_space<hbm>>
        %dma_start3A_183 = tpu.memref_squeeze %dma_start3A_182 : memref<1x2048xf32, #tpu.memory_space<hbm>> -> memref<2048xf32, #tpu.memory_space<hbm>>
        tpu.enqueue_dma source(%dma_start3A_183 : memref<2048xf32, #tpu.memory_space<hbm>>) target(%dma_start3A_180 : memref<2048xf32, #tpu.memory_space<vmem_shared>>) target_semaphore(%arg9 : memref<!tpu.dma_semaphore, #tpu.memory_space<semaphore_mem>>)
        %slice3A_184 = vector.extract_strided_slice %get3A_114 {offsets = [8], sizes = [1], strides = [1]} : vector<16xi32> to vector<1xi32>
        %squeeze3A_185 = vector.extract %slice3A_184[0] : i32 from vector<1xi32>
        %dma_start3A_186 = arith.constant 40 : i32
        %dma_start3A_187 = arith.constant 0 : i32
        %dma_start3A_188 = tpu.memref_slice %arg6[%arg1, %dma_start3A_186, %dma_start3A_187] : memref<16x48x2048xf32, #tpu.memory_space<vmem_shared>> -> memref<1x1x2048xf32, #tpu.memory_space<vmem_shared>>
        %dma_start3A_189 = tpu.memref_squeeze %dma_start3A_188 : memref<1x1x2048xf32, #tpu.memory_space<vmem_shared>> -> memref<2048xf32, #tpu.memory_space<vmem_shared>>
        %dma_start3A_190 = arith.constant 0 : i32
        %dma_start3A_191 = tpu.memref_slice %arg3[%squeeze3A_185, %dma_start3A_190] : memref<8192x2048xf32, #tpu.memory_space<hbm>> -> memref<1x2048xf32, #tpu.memory_space<hbm>>
        %dma_start3A_192 = tpu.memref_squeeze %dma_start3A_191 : memref<1x2048xf32, #tpu.memory_space<hbm>> -> memref<2048xf32, #tpu.memory_space<hbm>>
        tpu.enqueue_dma source(%dma_start3A_192 : memref<2048xf32, #tpu.memory_space<hbm>>) target(%dma_start3A_189 : memref<2048xf32, #tpu.memory_space<vmem_shared>>) target_semaphore(%arg9 : memref<!tpu.dma_semaphore, #tpu.memory_space<semaphore_mem>>)
        %slice3A_193 = vector.extract_strided_slice %get3A_114 {offsets = [9], sizes = [1], strides = [1]} : vector<16xi32> to vector<1xi32>
        %squeeze3A_194 = vector.extract %slice3A_193[0] : i32 from vector<1xi32>
        %dma_start3A_195 = arith.constant 41 : i32
        %dma_start3A_196 = arith.constant 0 : i32
        %dma_start3A_197 = tpu.memref_slice %arg6[%arg1, %dma_start3A_195, %dma_start3A_196] : memref<16x48x2048xf32, #tpu.memory_space<vmem_shared>> -> memref<1x1x2048xf32, #tpu.memory_space<vmem_shared>>
        %dma_start3A_198 = tpu.memref_squeeze %dma_start3A_197 : memref<1x1x2048xf32, #tpu.memory_space<vmem_shared>> -> memref<2048xf32, #tpu.memory_space<vmem_shared>>
        %dma_start3A_199 = arith.constant 0 : i32
        %dma_start3A_200 = tpu.memref_slice %arg3[%squeeze3A_194, %dma_start3A_199] : memref<8192x2048xf32, #tpu.memory_space<hbm>> -> memref<1x2048xf32, #tpu.memory_space<hbm>>
        %dma_start3A_201 = tpu.memref_squeeze %dma_start3A_200 : memref<1x2048xf32, #tpu.memory_space<hbm>> -> memref<2048xf32, #tpu.memory_space<hbm>>
        tpu.enqueue_dma source(%dma_start3A_201 : memref<2048xf32, #tpu.memory_space<hbm>>) target(%dma_start3A_198 : memref<2048xf32, #tpu.memory_space<vmem_shared>>) target_semaphore(%arg9 : memref<!tpu.dma_semaphore, #tpu.memory_space<semaphore_mem>>)
        %slice3A_202 = vector.extract_strided_slice %get3A_114 {offsets = [10], sizes = [1], strides = [1]} : vector<16xi32> to vector<1xi32>
        %squeeze3A_203 = vector.extract %slice3A_202[0] : i32 from vector<1xi32>
        %dma_start3A_204 = arith.constant 42 : i32
        %dma_start3A_205 = arith.constant 0 : i32
        %dma_start3A_206 = tpu.memref_slice %arg6[%arg1, %dma_start3A_204, %dma_start3A_205] : memref<16x48x2048xf32, #tpu.memory_space<vmem_shared>> -> memref<1x1x2048xf32, #tpu.memory_space<vmem_shared>>
        %dma_start3A_207 = tpu.memref_squeeze %dma_start3A_206 : memref<1x1x2048xf32, #tpu.memory_space<vmem_shared>> -> memref<2048xf32, #tpu.memory_space<vmem_shared>>
        %dma_start3A_208 = arith.constant 0 : i32
        %dma_start3A_209 = tpu.memref_slice %arg3[%squeeze3A_203, %dma_start3A_208] : memref<8192x2048xf32, #tpu.memory_space<hbm>> -> memref<1x2048xf32, #tpu.memory_space<hbm>>
        %dma_start3A_210 = tpu.memref_squeeze %dma_start3A_209 : memref<1x2048xf32, #tpu.memory_space<hbm>> -> memref<2048xf32, #tpu.memory_space<hbm>>
        tpu.enqueue_dma source(%dma_start3A_210 : memref<2048xf32, #tpu.memory_space<hbm>>) target(%dma_start3A_207 : memref<2048xf32, #tpu.memory_space<vmem_shared>>) target_semaphore(%arg9 : memref<!tpu.dma_semaphore, #tpu.memory_space<semaphore_mem>>)
        %slice3A_211 = vector.extract_strided_slice %get3A_114 {offsets = [11], sizes = [1], strides = [1]} : vector<16xi32> to vector<1xi32>
        %squeeze3A_212 = vector.extract %slice3A_211[0] : i32 from vector<1xi32>
        %dma_start3A_213 = arith.constant 43 : i32
        %dma_start3A_214 = arith.constant 0 : i32
        %dma_start3A_215 = tpu.memref_slice %arg6[%arg1, %dma_start3A_213, %dma_start3A_214] : memref<16x48x2048xf32, #tpu.memory_space<vmem_shared>> -> memref<1x1x2048xf32, #tpu.memory_space<vmem_shared>>
        %dma_start3A_216 = tpu.memref_squeeze %dma_start3A_215 : memref<1x1x2048xf32, #tpu.memory_space<vmem_shared>> -> memref<2048xf32, #tpu.memory_space<vmem_shared>>
        %dma_start3A_217 = arith.constant 0 : i32
        %dma_start3A_218 = tpu.memref_slice %arg3[%squeeze3A_212, %dma_start3A_217] : memref<8192x2048xf32, #tpu.memory_space<hbm>> -> memref<1x2048xf32, #tpu.memory_space<hbm>>
        %dma_start3A_219 = tpu.memref_squeeze %dma_start3A_218 : memref<1x2048xf32, #tpu.memory_space<hbm>> -> memref<2048xf32, #tpu.memory_space<hbm>>
        tpu.enqueue_dma source(%dma_start3A_219 : memref<2048xf32, #tpu.memory_space<hbm>>) target(%dma_start3A_216 : memref<2048xf32, #tpu.memory_space<vmem_shared>>) target_semaphore(%arg9 : memref<!tpu.dma_semaphore, #tpu.memory_space<semaphore_mem>>)
        %slice3A_220 = vector.extract_strided_slice %get3A_114 {offsets = [12], sizes = [1], strides = [1]} : vector<16xi32> to vector<1xi32>
        %squeeze3A_221 = vector.extract %slice3A_220[0] : i32 from vector<1xi32>
        %dma_start3A_222 = arith.constant 44 : i32
        %dma_start3A_223 = arith.constant 0 : i32
        %dma_start3A_224 = tpu.memref_slice %arg6[%arg1, %dma_start3A_222, %dma_start3A_223] : memref<16x48x2048xf32, #tpu.memory_space<vmem_shared>> -> memref<1x1x2048xf32, #tpu.memory_space<vmem_shared>>
        %dma_start3A_225 = tpu.memref_squeeze %dma_start3A_224 : memref<1x1x2048xf32, #tpu.memory_space<vmem_shared>> -> memref<2048xf32, #tpu.memory_space<vmem_shared>>
        %dma_start3A_226 = arith.constant 0 : i32
        %dma_start3A_227 = tpu.memref_slice %arg3[%squeeze3A_221, %dma_start3A_226] : memref<8192x2048xf32, #tpu.memory_space<hbm>> -> memref<1x2048xf32, #tpu.memory_space<hbm>>
        %dma_start3A_228 = tpu.memref_squeeze %dma_start3A_227 : memref<1x2048xf32, #tpu.memory_space<hbm>> -> memref<2048xf32, #tpu.memory_space<hbm>>
        tpu.enqueue_dma source(%dma_start3A_228 : memref<2048xf32, #tpu.memory_space<hbm>>) target(%dma_start3A_225 : memref<2048xf32, #tpu.memory_space<vmem_shared>>) target_semaphore(%arg9 : memref<!tpu.dma_semaphore, #tpu.memory_space<semaphore_mem>>)
        %slice3A_229 = vector.extract_strided_slice %get3A_114 {offsets = [13], sizes = [1], strides = [1]} : vector<16xi32> to vector<1xi32>
        %squeeze3A_230 = vector.extract %slice3A_229[0] : i32 from vector<1xi32>
        %dma_start3A_231 = arith.constant 45 : i32
        %dma_start3A_232 = arith.constant 0 : i32
        %dma_start3A_233 = tpu.memref_slice %arg6[%arg1, %dma_start3A_231, %dma_start3A_232] : memref<16x48x2048xf32, #tpu.memory_space<vmem_shared>> -> memref<1x1x2048xf32, #tpu.memory_space<vmem_shared>>
        %dma_start3A_234 = tpu.memref_squeeze %dma_start3A_233 : memref<1x1x2048xf32, #tpu.memory_space<vmem_shared>> -> memref<2048xf32, #tpu.memory_space<vmem_shared>>
        %dma_start3A_235 = arith.constant 0 : i32
        %dma_start3A_236 = tpu.memref_slice %arg3[%squeeze3A_230, %dma_start3A_235] : memref<8192x2048xf32, #tpu.memory_space<hbm>> -> memref<1x2048xf32, #tpu.memory_space<hbm>>
        %dma_start3A_237 = tpu.memref_squeeze %dma_start3A_236 : memref<1x2048xf32, #tpu.memory_space<hbm>> -> memref<2048xf32, #tpu.memory_space<hbm>>
        tpu.enqueue_dma source(%dma_start3A_237 : memref<2048xf32, #tpu.memory_space<hbm>>) target(%dma_start3A_234 : memref<2048xf32, #tpu.memory_space<vmem_shared>>) target_semaphore(%arg9 : memref<!tpu.dma_semaphore, #tpu.memory_space<semaphore_mem>>)
        %slice3A_238 = vector.extract_strided_slice %get3A_114 {offsets = [14], sizes = [1], strides = [1]} : vector<16xi32> to vector<1xi32>
        %squeeze3A_239 = vector.extract %slice3A_238[0] : i32 from vector<1xi32>
        %dma_start3A_240 = arith.constant 46 : i32
        %dma_start3A_241 = arith.constant 0 : i32
        %dma_start3A_242 = tpu.memref_slice %arg6[%arg1, %dma_start3A_240, %dma_start3A_241] : memref<16x48x2048xf32, #tpu.memory_space<vmem_shared>> -> memref<1x1x2048xf32, #tpu.memory_space<vmem_shared>>
        %dma_start3A_243 = tpu.memref_squeeze %dma_start3A_242 : memref<1x1x2048xf32, #tpu.memory_space<vmem_shared>> -> memref<2048xf32, #tpu.memory_space<vmem_shared>>
        %dma_start3A_244 = arith.constant 0 : i32
        %dma_start3A_245 = tpu.memref_slice %arg3[%squeeze3A_239, %dma_start3A_244] : memref<8192x2048xf32, #tpu.memory_space<hbm>> -> memref<1x2048xf32, #tpu.memory_space<hbm>>
        %dma_start3A_246 = tpu.memref_squeeze %dma_start3A_245 : memref<1x2048xf32, #tpu.memory_space<hbm>> -> memref<2048xf32, #tpu.memory_space<hbm>>
        tpu.enqueue_dma source(%dma_start3A_246 : memref<2048xf32, #tpu.memory_space<hbm>>) target(%dma_start3A_243 : memref<2048xf32, #tpu.memory_space<vmem_shared>>) target_semaphore(%arg9 : memref<!tpu.dma_semaphore, #tpu.memory_space<semaphore_mem>>)
        %slice3A_247 = vector.extract_strided_slice %get3A_114 {offsets = [15], sizes = [1], strides = [1]} : vector<16xi32> to vector<1xi32>
        %squeeze3A_248 = vector.extract %slice3A_247[0] : i32 from vector<1xi32>
        %dma_start3A_249 = arith.constant 47 : i32
        %dma_start3A_250 = arith.constant 0 : i32
        %dma_start3A_251 = tpu.memref_slice %arg6[%arg1, %dma_start3A_249, %dma_start3A_250] : memref<16x48x2048xf32, #tpu.memory_space<vmem_shared>> -> memref<1x1x2048xf32, #tpu.memory_space<vmem_shared>>
        %dma_start3A_252 = tpu.memref_squeeze %dma_start3A_251 : memref<1x1x2048xf32, #tpu.memory_space<vmem_shared>> -> memref<2048xf32, #tpu.memory_space<vmem_shared>>
        %dma_start3A_253 = arith.constant 0 : i32
        %dma_start3A_254 = tpu.memref_slice %arg3[%squeeze3A_248, %dma_start3A_253] : memref<8192x2048xf32, #tpu.memory_space<hbm>> -> memref<1x2048xf32, #tpu.memory_space<hbm>>
        %dma_start3A_255 = tpu.memref_squeeze %dma_start3A_254 : memref<1x2048xf32, #tpu.memory_space<hbm>> -> memref<2048xf32, #tpu.memory_space<hbm>>
        tpu.enqueue_dma source(%dma_start3A_255 : memref<2048xf32, #tpu.memory_space<hbm>>) target(%dma_start3A_252 : memref<2048xf32, #tpu.memory_space<vmem_shared>>) target_semaphore(%arg9 : memref<!tpu.dma_semaphore, #tpu.memory_space<semaphore_mem>>)
      } else {
      }
    }
    %scan3A_37 = arith.constant 12 : i32
    return
  }
}

</mosaic_0001>

<sc_bundles>
// kernel: kernel.3.cloned.1.call-start
scs
__scs_entry_jumppad:
0x0: {  	(pc) =	sbr.rel $0x88, $3  }
0x1: {  	(tag) =	ssettag $0x0;
	lr =	simm.s32 $0x1  }
0x2: {  	[smem:$0x3F9F] =	sst lr;
	_ =	strace $0xD0000000  }
0x3: {  	_ = 	snop  }
0x4: {  	_ = 	snop  }
0x5: {  	_ = 	snop  }
0x6: {  	_ = 	snop  }
0x7: {  	_ = 	snop  }
__scs_overlays_trampoline_lowered:
0x8: {  	[smem:$0x3FAE] =	sst s0  }
0x9: {  	[smem:$0x3FAF] =	sst s1  }
0xa: {  	[smem:$0x3FB0] =	sst s2  }
0xb: {  	[smem:$0x3FB1] =	sst s3  }
0xc: {  	[smem:$0x3FB2] =	sst s4  }
0xd: {  	[smem:$0x3FB3] =	sst s5  }
0xe: {  	[smem:$0x3FB4] =	sst s6  }
0xf: {  	[smem:$0x3FB5] =	sst s7  }
0x10: {  	[smem:$0x3FB6] =	sst s8  }
0x11: {  	[smem:$0x3FB7] =	sst s9;
	s0 =	simm.s32 @!p0 $0x0  }
0x12: {  	s1 =	sld [smem:$0x3F9D];
	s0 =	simm.s32 @p0 $0x1  }
0x13: {  	[smem:$0x3FB8] =	sst s0;
	s0 =	simm.s32 @!p1 $0x0  }
0x14: {  	s2 =	sld [smem:$0x3F9C];
	s0 =	simm.s32 @p1 $0x1  }
0x15: {  	[smem:$0x3FB9] =	sst s0;
	s0 =	simm.s32 @!p2 $0x0  }
0x16: {  	s3 =	sld [smem:$0x3FDB];
	s0 =	simm.s32 @p2 $0x1  }
0x17: {  	s4 =	simm.s32 $0x1BF5;
	[smem:$0x3FBB] =	sst s0  }
0x18: {  	s0 =	sld [smem:$0x3F9E];
	_ =	swait.ge [sflag:s4], $0x0  }
0x19: {  	s7 =	sld [smem:$0x3F9F]  }
0x1a: {  	s8 =	sadd.s32 $0xFFFFE003, lr  }
0x1b: {  	s9 =	sadd.s32 $0xFFFFFEF7, lr;
	s5 =	simm.s32 $0xFFFFFFFF;
	p2 =	slt.u32 s8, $0xFFFFF086  }
0x1c: {  	p1 =	slt.u32 s9, $0xF7A;
	s5 =	simm.s32 @!p2 $0x0  }
0x1d: {  	s5 =	simm.s32 @p1 $0x1;
	p0 =	seq.s32 s7, s2  }
0x1e: {  	s7 =	smul.u32 @!p0 $0xF7A, s2;
	p2 =	seq.s32 @!p0 s5, $0x0  }
0x1f: {  	s9 =	smul.u32 $0xF7A, s1;
	s8 =	simm.s32 @!p0 $0x1BF5;
	p2 =	por !p2, p0  }
0x20: {  	[sflag:s8] =	ssyncset.s32 @!p0 $0xFFFFF086;
	s6 =	sadd.s32 @!p0 s3, s7;
	s7 =	simm.s32 @!p0 $0x108  }
0x21: {  	s3 =	sadd.s32 s3, s9;
	s6 =	sadd.s32 @!p0 $0x88, s6;
	s7 =	simm.s32 @p2 $0x1082  }
0x22: {  	[simem:s7], [sflag:s8] =	dma.local @!p0 [hbm:s6], $0xF7A  }
0x23: {  	s9 =	sor.u32 $0xD0000000, s2;
	s6 =	simm.s32 $0x108;
	_ =	swait.ge @!p0 [sflag:s8], $0x0  }
0x24: {  	s3 =	sadd.s32 $0x88, s3;
	s6 =	simm.s32 @!p1 $0x1082;
	[sflag:s4] =	ssyncset.s32 $0xFFFFF086  }
0x25: {  	[simem:s6], [sflag:s4] =	dma.local [hbm:s3], $0xF7A  }
0x26: {  	[smem:$0x3F9F] =	sst s1;
	(tag) =	ssettag s2;
	_ =	strace s9  }
0x27: {  	s1 =	sld [smem:$0x3FAF]  }
0x28: {  	s2 =	sld [smem:$0x3FB0]  }
0x29: {  	s4 =	sld [smem:$0x3FB2]  }
0x2a: {  	p0 =	seq.s32 s5, $0x0;
	s5 =	sld [smem:$0x3FB3]  }
0x2b: {  	s6 =	sld [smem:$0x3FB4]  }
0x2c: {  	s7 =	sld [smem:$0x3FB5]  }
0x2d: {  	s3 =	simm.s32 $0x108;
	s8 =	sld [smem:$0x3FB6]  }
0x2e: {  	s3 =	simm.s32 @!p0 $0x1082;
	s9 =	sld [smem:$0x3FB7]  }
0x2f: {  	lr =	sadd.s32 s0, s3;
	s0 =	sld [smem:$0x3FAE]  }
0x30: {  	s3 =	sld [smem:$0x3FB1]  }
0x31: {  	[smem:$0x3FBA] =	sst s10  }
0x32: {  	s10 =	sld [smem:$0x3FB8];
	_ =	sdelay $0x3  }
0x33: {  	p0 =	seq.s32 s10, $0x1;
	s10 =	sld [smem:$0x3FBA];
	_ =	sdelay $0x3  }
0x34: {  	[smem:$0x3FBA] =	sst s10  }
0x35: {  	s10 =	sld [smem:$0x3FB9];
	_ =	sdelay $0x3  }
0x36: {  	p1 =	seq.s32 s10, $0x1;
	s10 =	sld [smem:$0x3FBA];
	_ =	sdelay $0x3  }
0x37: {  	[smem:$0x3FBA] =	sst s10  }
0x38: {  	s10 =	sld [smem:$0x3FBB]  }
0x39: {  	_ = 	snop;
	(pc) =	sbr.ind lr, $3  }
0x3a: {  	_ = 	snop  }
0x3b: {  	_ = 	snop  }
0x3c: {  	p2 =	seq.s32 s10, $0x1;
	s10 =	sld [smem:$0x3FBA]  }
0x3d: {  	_ =	shalt  }
0x3e: {  	_ =	shalt  }
0x3f: {  	_ =	shalt  }
0x40: {  	_ =	shalt  }
0x41: {  	_ =	shalt  }
0x42: {  	_ =	shalt  }
0x43: {  	_ =	shalt  }
0x44: {  	_ =	shalt  }
0x45: {  	_ =	shalt  }
0x46: {  	_ =	shalt  }
0x47: {  	_ =	shalt  }
0x48: {  	_ =	shalt  }
0x49: {  	_ =	shalt  }
0x4a: {  	_ =	shalt  }
0x4b: {  	_ =	shalt  }
0x4c: {  	_ =	shalt  }
0x4d: {  	_ =	shalt  }
0x4e: {  	_ =	shalt  }
0x4f: {  	_ =	shalt  }
0x50: {  	_ =	shalt  }
0x51: {  	_ =	shalt  }
0x52: {  	_ =	shalt  }
0x53: {  	_ =	shalt  }
0x54: {  	_ =	shalt  }
0x55: {  	_ =	shalt  }
0x56: {  	_ =	shalt  }
0x57: {  	_ =	shalt  }
0x58: {  	_ =	shalt  }
0x59: {  	_ =	shalt  }
0x5a: {  	_ =	shalt  }
0x5b: {  	_ =	shalt  }
0x5c: {  	_ =	shalt  }
0x5d: {  	_ =	shalt  }
0x5e: {  	_ =	shalt  }
0x5f: {  	_ =	shalt  }
0x60: {  	_ =	shalt  }
0x61: {  	_ =	shalt  }
0x62: {  	_ =	shalt  }
0x63: {  	_ =	shalt  }
0x64: {  	_ =	shalt  }
0x65: {  	_ =	shalt  }
0x66: {  	_ =	shalt  }
0x67: {  	_ =	shalt  }
0x68: {  	_ =	shalt  }
0x69: {  	_ =	shalt  }
0x6a: {  	_ =	shalt  }
0x6b: {  	_ =	shalt  }
0x6c: {  	_ =	shalt  }
0x6d: {  	_ =	shalt  }
0x6e: {  	_ =	shalt  }
0x6f: {  	_ =	shalt  }
0x70: {  	_ =	shalt  }
0x71: {  	_ =	shalt  }
0x72: {  	_ =	shalt  }
0x73: {  	_ =	shalt  }
0x74: {  	_ =	shalt  }
0x75: {  	_ =	shalt  }
0x76: {  	_ =	shalt  }
0x77: {  	_ =	shalt  }
0x78: {  	_ =	shalt  }
0x79: {  	_ =	shalt  }
0x7a: {  	_ =	shalt  }
0x7b: {  	_ =	shalt  }
0x7c: {  	_ =	shalt  }
0x7d: {  	_ =	shalt  }
0x7e: {  	_ =	shalt  }
0x7f: {  	_ =	shalt  }
0x80: {  	_ =	shalt  }
0x81: {  	_ =	shalt  }
0x82: {  	_ =	shalt  }
0x83: {  	_ =	shalt  }
0x84: {  	_ =	shalt  }
0x85: {  	_ =	shalt  }
0x86: {  	_ =	shalt  }
0x87: {  	_ =	shalt  }
.Lfunc_end0:
.L_simem_size_0:
called_computation_lowered:
.L_overlay_start_0:
0x88: {  	s2 =	sld [smem:$0x3FD9]  }
0x89: {  	s3 =	sld [smem:$0x3FFE];
	_ =	sdelay $0x1  }
0x8a: {  	s1 =	srdreg.scid  }
0x8b: {  	s0 =	sand.u32 $0x1, s1  }
0x8c: {  	s18 =	sshll.u32 s0, $0xA;
	s2 =	sadd.s32 s3, s2  }
0x8d: {  	s2 =	sadd.s32 s2, s18  }
0x8e: {  	[smem:$0x3FC6] =	sst s2  }
0x8f: {  	_ = 	snop  }
0x90: {  	s2 =	sld [smem:$0x3FC9]  }
0x91: {  	s19 =	sld [smem:$0x3FC8]  }
0x92: {  	s4 =	sld [smem:$0x3FD0];
	(tm) =	ssettm $0x1  }
0x93: {  	s5 =	sld [smem:$0x3FFB];
	_ =	sdelay $0x3  }
0x94: {  	_ =	strace s5  }
0x95: {  	s5 =	sld [smem:$0x3FFC];
	_ =	sdelay $0x3  }
0x96: {  	_ =	strace s5  }
0x97: {  	s5 =	sld [smem:$0x3FFD];
	_ =	sdelay $0x3  }
0x98: {  	_ =	strace s5  }
0x99: {  	_ =	strace $0x8FFFFFFF  }
0x9a: {  	s20 =	sld [smem:$0x3FDB];
	_ =	sdelay $0x1  }
0x9b: {  	s6 =	simm.s32 $_scs_section_size  }
0x9c: {  	s7 =	simm.s32 $_size__tile_overlayer_lowered;
	s8 =	simm.s32 $_tile_overlayer_lowered  }
0x9d: {  	s23 =	simm.s32 $0x1BFF;
	s22 =	sshll.u32 s8, $0x1;
	s5 =	sadd.s32 s6, s20  }
0x9e: {  	s9 =	simm.s32 $0x0;
	s21 =	sshll.u32 s7, $0x1;
	s7 =	sadd.s32 s22, s5  }
0x9f: {  	[timem:s9], [sflag:s23] =	dma.local [hbm:s7], s21  }
0xa0: {  	_ =	swait.ge [sflag:s23], s21  }
0xa1: {  	s6 =	ssub.s32 $0x0, s21;
	[sflag:s23] =	ssyncset.done $0x0  }
0xa2: {  	[sflag:s23] =	ssyncadd.s32 s6;
	_ =	sdelay $0x1  }
0xa3: {  	s24 =	simm.s32 $0x1B8B  }
0xa4: {  	_ =	swait.ge [sflag:s24], $0x1  }
0xa5: {  	[sflag:s24] =	ssyncset.done $0x0  }
0xa6: {  	s25 =	simm.s32 $0x1B8E;
	[sflag:s24] =	ssyncadd.s32 $0xFFFFFFFF  }
0xa7: {  	s26 =	simm.s32 $execute0_lowered;
	[smem:$0x3FD2] =	sst s25  }
0xa8: {  	s6 =	sshll.u32 s26, $0x1;
	_ =	strace $0x80000046;
	[dreg:$0x1] =	wrdreg $0xFFFFFFFF  }
0xa9: {  	s28 =	simm.s32 $_size_execute0_lowered;
	s5 =	sadd.s32 s5, s6;
	[dreg:$0x0] =	wrdreg $0x0  }
0xaa: {  	s6 =	sshll.u32 s28, $0x1;
	[dreg:$0x2] =	wrdreg s5  }
0xab: {  	[dreg:$0x3] =	wrdreg s6  }
0xac: {  	[dreg:$0x4] =	wrdreg $0xC0  }
0xad: {  	_ =	task [dreg:s9], $0x5FFFF  }
0xae: {  	[dreg:$0x1] =	wrdreg $0xFFFFFFFF  }
0xaf: {  	[dreg:$0x0] =	wrdreg $0x60  }
0xb0: {  	[dreg:$0x2] =	wrdreg s2  }
0xb1: {  	[dreg:$0x3] =	wrdreg s19  }
0xb2: {  	[dreg:$0x4] =	wrdreg s4  }
0xb3: {  	[dreg:$0x5] =	wrdreg $0x2000  }
0xb4: {  	[dreg:$0x6] =	wrdreg $0x9  }
0xb5: {  	_ =	task.clear_ibuf [dreg:s9], $0x7FFFF;
	_ =	strace $0x90000046  }
0xb6: {  	s29 =	simm.s32 $0x9;
	_ =	strace $0x80000048  }
0xb7: {  	_ =	swait.ge [sflag:s29], $0x1  }
0xb8: {  	[sflag:s29] =	ssyncadd.s32 $0xFFFFFFFF  }
0xb9: {  	_ =	strace $0x90000048  }
0xba: {  	_ =	sfence  }
0xbb: {  	s30 =	sld [smem:$0x0];
	_ =	sdelay $0x2  }
0xbc: {  	s31 =	sshll.u32 s1, $0xD;
	s1 =	sshrl.u32 s1, $0x2  }
0xbd: {  	s3 =	sand.u32 $0x4000, s31;
	s1 =	sadd.s32 s1, s30  }
0xbe: {  	s0 =	sor.u32 s3, s0;
	s1 =	sshll.u32 s1, $0x11  }
0xbf: {  	s0 =	sor.u32 s1, s0  }
0xc0: {  	s0 =	sadd.s32 $0x8F2B, s0  }
0xc1: {  	[sflag:s0] =	ssyncadd.remote.s32 $0x1  }
0xc2: {  	_ =	sfence.sel $0xFFFF  }
0xc3: {  	[dreg:$0x0] =	wrdreg $0xFFFFFFFF;
	(pc) =	sbr.abs _section_cstart, $3  }
0xc4: {  	[dreg:$0x1] =	wrdreg $0xFFFFFFFF  }
0xc5: {  	_ =	task.clear_ibuf [dreg:s9], $0x2FFFF;
	_ =	strace $0x9FFFFFFF  }
0xc6: {  	(tm) =	ssettm $0x7FFFFFFF  }
0xc7: {  	_ =	shalt  }
tec
execute0_lowered:
.L_overlay_start_1:
0x0: {  	(tag) =	ssettag $0x1  }
0x1: {  	s0 =	rddreg [dreg:$0x0]  }
0x2: {  	s1 =	rddreg [dreg:$0x1]  }
0x3: {  	s2 =	rddreg [dreg:$0x2]  }
0x4: {  	s3 =	rddreg [dreg:$0x3]  }
0x5: {  	s5 =	simm.s32 $0x0;
	s4 =	srdreg.scid;
	s31 =	simm.s32 $0x80  }
0x6: {  	[smem:$0x7FF] =	sst s5;
	s6 =	sand.u32 $0x1, s4;
	s4 =	stileid.u32  }
0x7: {  	_ =	strace $0x80000047;
	s24 =	ssub.s32 $0x2, s6;
	s8 =	sshll.u32 s4, $0x1  }
0x8: {  	s9 =	smul.u32 $0x60000, s4;
	s10 =	sshrl.u32 s4, $0x2;
	s19 =	sand.u32 $0x3, s4  }
0x9: {  	s7 =	sshrl.u32 s24, $0x1;
	s25 =	sand.u32 $0x6, s8;
	s26 =	sshll.u32 s10, $0x4  }
0xa: {  	s23 =	sshll.u32 s10, $0x14;
	s21 =	sshll.u32 s19, $0x12;
	s19 =	sshll.u32 s19, $0x15  }
0xb: {  	s7 =	ssub.s32 s24, s7;
	s5 =	sor.u32 s6, s25;
	s9 =	sshrl.u32 s9, $0x2  }
0xc: {  	s0 =	sadd.s32 s0, s26;
	s8 =	sadd.s32 s23, s2;
	s26 =	sshll.u32 s6, $0x11  }
0xd: {  	s6 =	sshll.u32 s6, $0x14;
	s11 =	sshll.u32 s5, $0x8;
	s5 =	sadd.s32 s9, s3  }
0xe: {  	s8 =	sadd.s32 s21, s8;
	s7 =	smax.u32 s7, $0x1;
	s0 =	sadd.s32 s11, s0  }
0xf: {  	s11 =	sshll.u32 s10, $0x17;
	s3 =	sadd.s32 $0x8080, s5;
	s9 =	sadd.s32 $0x10080, s5  }
0x10: {  	s24 =	sadd.s32 $0x10100, s5;
	s25 =	sadd.s32 $0x10180, s5;
	s12 =	sadd.s32 $0x10200, s5  }
0x11: {  	s13 =	sadd.s32 $0x10280, s5;
	s14 =	sadd.s32 $0x10300, s5;
	s15 =	sadd.s32 $0x10380, s5  }
0x12: {  	s16 =	sadd.s32 $0x14000, s5;
	s17 =	sadd.s32 $0x14080, s5;
	[dreg:$0x7] =	wrdreg s7  }
0x13: {  	s18 =	sadd.s32 $0x14100, s5;
	s8 =	sadd.s32 s26, s8;
	[dreg:$0x5] =	wrdreg s0  }
0x14: {  	s20 =	sadd.s32 $0x14180, s5;
	[dreg:$0x6] =	wrdreg s8;
	s23 =	sshrl.u32 s9, $0x3  }
0x15: {  	s22 =	sadd.s32 $0x14200, s5;
	s24 =	sshrl.u32 s24, $0x3;
	[dreg:$0x9] =	wrdreg s23  }
0x16: {  	s21 =	sadd.s32 $0x14380, s5;
	s25 =	sshrl.u32 s25, $0x3;
	[dreg:$0xa] =	wrdreg s24  }
0x17: {  	s29 =	sadd.s32 $0x8000, s5;
	s26 =	sshrl.u32 s12, $0x3;
	[dreg:$0xb] =	wrdreg s25  }
0x18: {  	s30 =	sadd.s32 $0x10000, s5;
	s7 =	sshrl.u32 s13, $0x3;
	[dreg:$0xc] =	wrdreg s26  }
0x19: {  	s8 =	sadd.s32 $0x14280, s5;
	s9 =	sshrl.u32 s14, $0x3;
	[dreg:$0xd] =	wrdreg s7  }
0x1a: {  	s0 =	sor.u32 s19, s11;
	s10 =	sshrl.u32 s15, $0x3;
	[dreg:$0xe] =	wrdreg s9  }
0x1b: {  	s19 =	sadd.s32 $0x14300, s5;
	s11 =	sshrl.u32 s16, $0x3;
	[dreg:$0xf] =	wrdreg s10  }
0x1c: {  	s12 =	sshrl.u32 s17, $0x3;
	s13 =	sshrl.u32 s18, $0x3;
	[dreg:$0x10] =	wrdreg s11  }
0x1d: {  	s14 =	sshrl.u32 s20, $0x3;
	s15 =	sshrl.u32 s22, $0x3;
	[dreg:$0x11] =	wrdreg s12  }
0x1e: {  	s18 =	sshrl.u32 s21, $0x3;
	s20 =	sadd.s32 $0x8180, s5;
	[dreg:$0x12] =	wrdreg s13  }
0x1f: {  	s3 =	sshrl.u32 s3, $0x3;
	s22 =	sadd.s32 $0x8200, s5;
	[dreg:$0x13] =	wrdreg s14  }
0x20: {  	s0 =	sor.u32 s6, s0;
	[dreg:$0x14] =	wrdreg s15;
	s16 =	sshrl.u32 s8, $0x3  }
0x21: {  	s17 =	sshrl.u32 s19, $0x3;
	[dreg:$0x17] =	wrdreg s18;
	s19 =	sadd.s32 $0x8100, s5  }
0x22: {  	[dreg:$0x18] =	wrdreg s3;
	s21 =	sshrl.u32 s20, $0x3;
	s23 =	sadd.s32 $0x8280, s5  }
0x23: {  	s24 =	sadd.s32 $0x8300, s5;
	s3 =	sadd.s32 $0x8380, s5;
	s6 =	sadd.s32 $0xC000, s5  }
0x24: {  	s7 =	sadd.s32 $0xC080, s5;
	s10 =	sadd.s32 $0xC100, s5;
	s11 =	sadd.s32 $0xC180, s5  }
0x25: {  	s12 =	sadd.s32 $0xC200, s5;
	s15 =	sadd.s32 $0xC280, s5;
	[dreg:$0x15] =	wrdreg s16  }
0x26: {  	s20 =	sadd.s32 $0x80, s5;
	s0 =	sadd.s32 $0xFFFF8000, s0;
	[dreg:$0x16] =	wrdreg s17  }
0x27: {  	[dreg:$0x1a] =	wrdreg s21;
	s25 =	sshrl.u32 s23, $0x3;
	s26 =	sshrl.u32 s24, $0x3  }
0x28: {  	s8 =	sshrl.u32 s6, $0x3;
	s9 =	sshrl.u32 s7, $0x3;
	[dreg:$0x8] =	wrdreg s0  }
0x29: {  	s13 =	sshrl.u32 s11, $0x3;
	s14 =	sshrl.u32 s12, $0x3;
	[dreg:$0x1c] =	wrdreg s25  }
0x2a: {  	s16 =	sadd.s32 $0xC300, s5;
	s17 =	sadd.s32 $0xC380, s5;
	[dreg:$0x1d] =	wrdreg s26  }
0x2b: {  	s21 =	sadd.s32 $0x100, s5;
	s24 =	sadd.s32 $0x200, s5;
	[dreg:$0x1f] =	wrdreg s8  }
0x2c: {  	s6 =	sadd.s32 $0x380, s5;
	s7 =	sadd.s32 $0x4000, s5;
	[smem:$0x7F5] =	sst s9  }
0x2d: {  	s11 =	sadd.s32 $0x4200, s5;
	s12 =	sadd.s32 $0x4280, s5;
	[smem:$0x7F7] =	sst s13  }
0x2e: {  	s0 =	sshrl.u32 s19, $0x3;
	[smem:$0x7F8] =	sst s14;
	s18 =	sshrl.u32 s16, $0x3  }
0x2f: {  	s19 =	sshrl.u32 s17, $0x3;
	s23 =	sshrl.u32 s21, $0x3;
	s25 =	sadd.s32 $0x280, s5  }
0x30: {  	s26 =	sadd.s32 $0x300, s5;
	s16 =	sshrl.u32 s24, $0x3;
	s8 =	sadd.s32 $0x4080, s5  }
0x31: {  	s9 =	sadd.s32 $0x4100, s5;
	s24 =	sshrl.u32 s11, $0x3;
	[dreg:$0x19] =	wrdreg s0  }
0x32: {  	s13 =	sadd.s32 $0x4300, s5;
	s14 =	sadd.s32 $0x4380, s5;
	[smem:$0x7FA] =	sst s18  }
0x33: {  	s0 =	sshrl.u32 s22, $0x3;
	[smem:$0x7FB] =	sst s19;
	s22 =	sadd.s32 $0x180, s5  }
0x34: {  	[smem:$0x7FD] =	sst s23;
	s17 =	sshrl.u32 s25, $0x3;
	s18 =	sshrl.u32 s26, $0x3  }
0x35: {  	s19 =	sshrl.u32 s6, $0x3;
	s21 =	sshrl.u32 s8, $0x3;
	s25 =	sshrl.u32 s12, $0x3  }
0x36: {  	s26 =	sshrl.u32 s13, $0x3;
	s28 =	sshrl.u32 s14, $0x3;
	s6 =	simm.s32 $0x1  }
0x37: {  	s8 =	simm.s32 $0x0;
	[dreg:$0x1b] =	wrdreg s0;
	s0 =	sshrl.u32 s3, $0x3  }
.Ltmp0:
0x38: {  	[dreg:$0x1e] =	wrdreg s0;
	s0 =	sshrl.u32 s10, $0x3;
	(pc) =	sbr.rel .LBB2_1-.Ltmp0, $4  }
0x39: {  	s3 =	simm.s32 $0x2;
	s10 =	sadd.s32 $0x4180, s5;
	[smem:$0x7F6] =	sst s0  }
0x3a: {  	s0 =	sshrl.u32 s15, $0x3;
	s15 =	sshrl.u32 s22, $0x3;
	s22 =	sshrl.u32 s9, $0x3  }
0x3b: {  	s23 =	sshrl.u32 s10, $0x3;
	[smem:$0x7F9] =	sst s0;
	s0 =	sshrl.u32 s20, $0x3  }
0x3c: {  	s20 =	sshrl.u32 s7, $0x3;
	[smem:$0x7FC] =	sst s0;
	s0 =	simm.s32 $0x4  }
.LBB2_14:
0x3d: {  	s8 =	sld [smem:$0x7F4];
	_ =	sdelay $0x2  }
0x3e: {  	s7 =	rddreg [dreg:$0x7];
	s8 =	sadd.s32 $0x1, s8  }
0x3f: {  	p0 =	sne.s32 s8, s7  }
.Ltmp1:
0x40: {  	_ = 	snop;
	(pc) =	sbr.rel @!p0 .LBB2_15-.Ltmp1, $1  }
0x41: {  	_ =	sdelay $0x3  }
.LBB2_1:
0x42: {  	[smem:$0x7F4] =	sst s8  }
0x43: {  	s7 =	simm.s32 $0x0;
	s13 =	rddreg [dreg:$0x5]  }
.Ltmp2:
0x44: {  	s9 =	simm.s32 $0x200;
	s14 =	simm.s32 $0x5;
	(pc) =	sbr.rel .LBB2_2-.Ltmp2, $4  }
0x45: {  	[tilespmem:s7], [sflag:$0x5] =	stream.strided.gather [hbm4b:s13+s31], $0x200, s9, s31, $0x38;
	[tilespmem:$0x18200] =	vst v63  }
0x46: {  	s8 =	simm.s32 $0x20;
	_ =	swait.ge [sflag:s14], $0x200  }
0x47: {  	s11 =	simm.s32 $0x0;
	[sflag:s14] =	ssyncset.done $0x0;
	s9 =	rddreg [dreg:$0x8]  }
0x48: {  	s7 =	simm.s32 $0xFFFFFFFD;
	s10 =	rddreg [dreg:$0x6];
	[sflag:s14] =	ssyncadd.s32 $0xFFFFFE00  }
.LBB2_13:
0x49: {  	s7 =	sadd.s32 $0x3, s7  }
0x4a: {  	p0 =	sne.s32 s7, $0x21  }
.Ltmp3:
0x4b: {  	_ = 	snop;
	(pc) =	sbr.rel @!p0 .LBB2_14-.Ltmp3, $3  }
0x4c: {  	_ =	sdelay $0x1  }
0x4d: {  	s11 =	sadd.s32 $0x1, s11  }
0x4e: {  	s10 =	sadd.s32 $0x3000, s10;
	s8 =	sadd.s32 $0x30, s8;
	s9 =	sadd.s32 $0x18000, s9  }
.LBB2_2:
0x4f: {  	p0 =	sgt.u32 s7, $0x1F  }
.Ltmp4:
0x50: {  	_ = 	snop;
	(pc) =	sbr.rel @p0 .LBB2_4-.Ltmp4, $1  }
0x51: {  	_ =	sdelay $0x3  }
.Ltmp5:
0x52: {  	(pc) =	sbr.rel .LBB2_5-.Ltmp5, $4  }
0x53: {  	_ = 	snop  }
0x54: {  	_ =	swait.ge [sflag:s0], $0x1000  }
0x55: {  	[sflag:s0] =	ssyncset.done $0x0  }
0x56: {  	[sflag:s0] =	ssyncadd.s32 $0xFFFFF000  }
.LBB2_4:
0x57: {  	s12 =	sadd.s32 $0x1, s7  }
0x58: {  	p0 =	sgt.u32 s12, $0x1F  }
.Ltmp6:
0x59: {  	_ = 	snop;
	(pc) =	sbr.rel @p0 .LBB2_6-.Ltmp6, $2  }
0x5a: {  	_ =	sdelay $0x2  }
0x5b: {  	p2 =	por $0x0, $0x0  }
.LBB2_5:
0x5c: {  	_ =	swait.ge [sflag:s3], $0x1000  }
0x5d: {  	s12 =	sadd.s32 $0xFFFF8000, s9;
	s13 =	sshll.u32 s4, $0x6;
	s14 =	sshrl.u32 s29, $0x3  }
0x5e: {  	p2 =	por $0x1, $0x1;
	[sflag:s3] =	ssyncset.done $0x0;
	s12 =	sshrl.u32 s12, $0x3  }
0x5f: {  	s13 =	sor.u32 $0x1C04, s13;
	[sflag:s3] =	ssyncadd.s32 $0xFFFFF000;
	s12 =	sadd.s32 s2, s12  }
0x60: {  	[hbm:s12], [sflag:s13] =	dma.local [spmem:s14], $0x1000  }
.LBB2_6:
0x61: {  	p0 =	seq.s32 s7, $0x1E  }
.Ltmp7:
0x62: {  	_ = 	snop;
	(pc) =	sbr.rel @p0 .LBB2_8-.Ltmp7, $1  }
0x63: {  	_ =	sdelay $0x3  }
0x64: {  	v0 =	vld [tilespmem:s8+$0xFFFFFFE0];
	_ =	sdelay $0x4  }
0x65: {  	(v2sf) =	vpush v0, $0x0;
	_ =	sdelay $0xe  }
0x66: {  	s12 =	spop (v2sf)  }
0x67: {  	s13 =	sshll.u32 s12, $0xB;
	s12 =	sshll.u32 s12, $0x7  }
0x68: {  	s13 =	sand.u32 $0xFFFFC000, s13;
	s12 =	sand.u32 $0x380, s12  }
0x69: {  	s12 =	sor.u32 s12, s13  }
0x6a: {  	s13 =	sshll.u32 s4, $0x6;
	s12 =	sshrl.u32 s12, $0x3  }
0x6b: {  	s14 =	sadd.s32 s1, s12;
	s12 =	sor.u32 $0x1C01, s13;
	s13 =	sshrl.u32 s5, $0x3  }
0x6c: {  	[spmem:s13@s31], [sflag:s12] =	dma.strided [hbm:s14@s31], $0x100, s6, $0x10   }
0x6d: {  	(v2sf) =	vpush v0, $0x1;
	_ =	sdelay $0xe  }
0x6e: {  	s13 =	spop (v2sf)  }
0x6f: {  	s14 =	sshll.u32 s13, $0xB;
	s13 =	sshll.u32 s13, $0x7  }
0x70: {  	s14 =	sand.u32 $0xFFFFC000, s14;
	s13 =	sand.u32 $0x380, s13  }
0x71: {  	s13 =	sor.u32 s13, s14;
	s14 =	sld [smem:$0x7FC]  }
0x72: {  	s13 =	sshrl.u32 s13, $0x3  }
0x73: {  	s13 =	sadd.s32 s1, s13  }
0x74: {  	[spmem:s14@s31], [sflag:s12] =	dma.strided [hbm:s13@s31], $0x100, s6, $0x10   }
0x75: {  	(v2sf) =	vpush v0, $0x2;
	_ =	sdelay $0xe  }
0x76: {  	s13 =	spop (v2sf)  }
0x77: {  	s14 =	sshll.u32 s13, $0xB;
	s13 =	sshll.u32 s13, $0x7  }
0x78: {  	s14 =	sand.u32 $0xFFFFC000, s14;
	s13 =	sand.u32 $0x380, s13  }
0x79: {  	s13 =	sor.u32 s13, s14;
	s14 =	sld [smem:$0x7FD]  }
0x7a: {  	s13 =	sshrl.u32 s13, $0x3  }
0x7b: {  	s13 =	sadd.s32 s1, s13  }
0x7c: {  	[spmem:s14@s31], [sflag:s12] =	dma.strided [hbm:s13@s31], $0x100, s6, $0x10   }
0x7d: {  	(v2sf) =	vpush v0, $0x3;
	_ =	sdelay $0xe  }
0x7e: {  	s13 =	spop (v2sf)  }
0x7f: {  	s14 =	sshll.u32 s13, $0xB;
	s13 =	sshll.u32 s13, $0x7  }
0x80: {  	s14 =	sand.u32 $0xFFFFC000, s14;
	s13 =	sand.u32 $0x380, s13  }
0x81: {  	s13 =	sor.u32 s13, s14  }
0x82: {  	s13 =	sshrl.u32 s13, $0x3  }
0x83: {  	s13 =	sadd.s32 s1, s13  }
0x84: {  	[spmem:s15@s31], [sflag:s12] =	dma.strided [hbm:s13@s31], $0x100, s6, $0x10   }
0x85: {  	(v2sf) =	vpush v0, $0x4;
	_ =	sdelay $0xe  }
0x86: {  	s13 =	spop (v2sf)  }
0x87: {  	s14 =	sshll.u32 s13, $0xB;
	s13 =	sshll.u32 s13, $0x7  }
0x88: {  	s14 =	sand.u32 $0xFFFFC000, s14;
	s13 =	sand.u32 $0x380, s13  }
0x89: {  	s13 =	sor.u32 s13, s14  }
0x8a: {  	s13 =	sshrl.u32 s13, $0x3  }
0x8b: {  	s13 =	sadd.s32 s1, s13  }
0x8c: {  	[spmem:s16@s31], [sflag:s12] =	dma.strided [hbm:s13@s31], $0x100, s6, $0x10   }
0x8d: {  	(v2sf) =	vpush v0, $0x5;
	_ =	sdelay $0xe  }
0x8e: {  	s13 =	spop (v2sf)  }
0x8f: {  	s14 =	sshll.u32 s13, $0xB;
	s13 =	sshll.u32 s13, $0x7  }
0x90: {  	s14 =	sand.u32 $0xFFFFC000, s14;
	s13 =	sand.u32 $0x380, s13  }
0x91: {  	s13 =	sor.u32 s13, s14  }
0x92: {  	s13 =	sshrl.u32 s13, $0x3  }
0x93: {  	s13 =	sadd.s32 s1, s13  }
0x94: {  	[spmem:s17@s31], [sflag:s12] =	dma.strided [hbm:s13@s31], $0x100, s6, $0x10   }
0x95: {  	(v2sf) =	vpush v0, $0x6;
	_ =	sdelay $0xe  }
0x96: {  	s13 =	spop (v2sf)  }
0x97: {  	s14 =	sshll.u32 s13, $0xB;
	s13 =	sshll.u32 s13, $0x7  }
0x98: {  	s14 =	sand.u32 $0xFFFFC000, s14;
	s13 =	sand.u32 $0x380, s13  }
0x99: {  	s13 =	sor.u32 s13, s14  }
0x9a: {  	s13 =	sshrl.u32 s13, $0x3  }
0x9b: {  	s13 =	sadd.s32 s1, s13  }
0x9c: {  	[spmem:s18@s31], [sflag:s12] =	dma.strided [hbm:s13@s31], $0x100, s6, $0x10   }
0x9d: {  	(v2sf) =	vpush v0, $0x7;
	_ =	sdelay $0xe  }
0x9e: {  	s13 =	spop (v2sf)  }
0x9f: {  	s14 =	sshll.u32 s13, $0xB;
	s13 =	sshll.u32 s13, $0x7  }
0xa0: {  	s14 =	sand.u32 $0xFFFFC000, s14;
	s13 =	sand.u32 $0x380, s13  }
0xa1: {  	s13 =	sor.u32 s13, s14  }
0xa2: {  	s13 =	sshrl.u32 s13, $0x3  }
0xa3: {  	s13 =	sadd.s32 s1, s13  }
0xa4: {  	[spmem:s19@s31], [sflag:s12] =	dma.strided [hbm:s13@s31], $0x100, s6, $0x10   }
0xa5: {  	(v2sf) =	vpush v0, $0x8;
	_ =	sdelay $0xe  }
0xa6: {  	s13 =	spop (v2sf)  }
0xa7: {  	s14 =	sshll.u32 s13, $0xB;
	s13 =	sshll.u32 s13, $0x7  }
0xa8: {  	s14 =	sand.u32 $0xFFFFC000, s14;
	s13 =	sand.u32 $0x380, s13  }
0xa9: {  	s13 =	sor.u32 s13, s14  }
0xaa: {  	s13 =	sshrl.u32 s13, $0x3  }
0xab: {  	s13 =	sadd.s32 s1, s13  }
0xac: {  	[spmem:s20@s31], [sflag:s12] =	dma.strided [hbm:s13@s31], $0x100, s6, $0x10   }
0xad: {  	(v2sf) =	vpush v0, $0x9;
	_ =	sdelay $0xe  }
0xae: {  	s13 =	spop (v2sf)  }
0xaf: {  	s14 =	sshll.u32 s13, $0xB;
	s13 =	sshll.u32 s13, $0x7  }
0xb0: {  	s14 =	sand.u32 $0xFFFFC000, s14;
	s13 =	sand.u32 $0x380, s13  }
0xb1: {  	s13 =	sor.u32 s13, s14  }
0xb2: {  	s13 =	sshrl.u32 s13, $0x3  }
0xb3: {  	s13 =	sadd.s32 s1, s13  }
0xb4: {  	[spmem:s21@s31], [sflag:s12] =	dma.strided [hbm:s13@s31], $0x100, s6, $0x10   }
0xb5: {  	(v2sf) =	vpush v0, $0xA;
	_ =	sdelay $0xe  }
0xb6: {  	s13 =	spop (v2sf)  }
0xb7: {  	s14 =	sshll.u32 s13, $0xB;
	s13 =	sshll.u32 s13, $0x7  }
0xb8: {  	s14 =	sand.u32 $0xFFFFC000, s14;
	s13 =	sand.u32 $0x380, s13  }
0xb9: {  	s13 =	sor.u32 s13, s14  }
0xba: {  	s13 =	sshrl.u32 s13, $0x3  }
0xbb: {  	s13 =	sadd.s32 s1, s13  }
0xbc: {  	[spmem:s22@s31], [sflag:s12] =	dma.strided [hbm:s13@s31], $0x100, s6, $0x10   }
0xbd: {  	(v2sf) =	vpush v0, $0xB;
	_ =	sdelay $0xe  }
0xbe: {  	s13 =	spop (v2sf)  }
0xbf: {  	s14 =	sshll.u32 s13, $0xB;
	s13 =	sshll.u32 s13, $0x7  }
0xc0: {  	s14 =	sand.u32 $0xFFFFC000, s14;
	s13 =	sand.u32 $0x380, s13  }
0xc1: {  	s13 =	sor.u32 s13, s14  }
0xc2: {  	s13 =	sshrl.u32 s13, $0x3  }
0xc3: {  	s13 =	sadd.s32 s1, s13  }
0xc4: {  	[spmem:s23@s31], [sflag:s12] =	dma.strided [hbm:s13@s31], $0x100, s6, $0x10   }
0xc5: {  	(v2sf) =	vpush v0, $0xC;
	_ =	sdelay $0xe  }
0xc6: {  	s13 =	spop (v2sf)  }
0xc7: {  	s14 =	sshll.u32 s13, $0xB;
	s13 =	sshll.u32 s13, $0x7  }
0xc8: {  	s14 =	sand.u32 $0xFFFFC000, s14;
	s13 =	sand.u32 $0x380, s13  }
0xc9: {  	s13 =	sor.u32 s13, s14  }
0xca: {  	s13 =	sshrl.u32 s13, $0x3  }
0xcb: {  	s13 =	sadd.s32 s1, s13  }
0xcc: {  	[spmem:s24@s31], [sflag:s12] =	dma.strided [hbm:s13@s31], $0x100, s6, $0x10   }
0xcd: {  	(v2sf) =	vpush v0, $0xD;
	_ =	sdelay $0xe  }
0xce: {  	s13 =	spop (v2sf)  }
0xcf: {  	s14 =	sshll.u32 s13, $0xB;
	s13 =	sshll.u32 s13, $0x7  }
0xd0: {  	s14 =	sand.u32 $0xFFFFC000, s14;
	s13 =	sand.u32 $0x380, s13  }
0xd1: {  	s13 =	sor.u32 s13, s14  }
0xd2: {  	s13 =	sshrl.u32 s13, $0x3  }
0xd3: {  	s13 =	sadd.s32 s1, s13  }
0xd4: {  	[spmem:s25@s31], [sflag:s12] =	dma.strided [hbm:s13@s31], $0x100, s6, $0x10   }
0xd5: {  	(v2sf) =	vpush v0, $0xE;
	_ =	sdelay $0xe  }
0xd6: {  	s13 =	spop (v2sf)  }
0xd7: {  	s14 =	sshll.u32 s13, $0xB;
	s13 =	sshll.u32 s13, $0x7  }
0xd8: {  	s14 =	sand.u32 $0xFFFFC000, s14;
	s13 =	sand.u32 $0x380, s13  }
0xd9: {  	s13 =	sor.u32 s13, s14  }
0xda: {  	s13 =	sshrl.u32 s13, $0x3  }
0xdb: {  	s13 =	sadd.s32 s1, s13  }
0xdc: {  	[spmem:s26@s31], [sflag:s12] =	dma.strided [hbm:s13@s31], $0x100, s6, $0x10   }
0xdd: {  	(v2sf) =	vpush v0, $0xF;
	_ =	sdelay $0xe  }
0xde: {  	s13 =	spop (v2sf)  }
0xdf: {  	s14 =	sshll.u32 s13, $0xB;
	s13 =	sshll.u32 s13, $0x7  }
0xe0: {  	s14 =	sand.u32 $0xFFFFC000, s14;
	s13 =	sand.u32 $0x380, s13  }
0xe1: {  	s13 =	sor.u32 s13, s14  }
0xe2: {  	s13 =	sshrl.u32 s13, $0x3  }
0xe3: {  	s13 =	sadd.s32 s1, s13  }
0xe4: {  	[spmem:s28@s31], [sflag:s12] =	dma.strided [hbm:s13@s31], $0x100, s6, $0x10   }
.LBB2_8:
0xe5: {  	s12 =	simm.s32 @p2 $0x4  }
0xe6: {  	s13 =	sadd.s32 $0x2, s7;
	_ =	swait.ge @p2 [sflag:s12], $0x1000  }
0xe7: {  	p1 =	sgt.u32 s13, $0x1F;
	[sflag:s12] =	ssyncset.done @p2 $0x0  }
0xe8: {  	[sflag:s12] =	ssyncadd.s32 @p2 $0xFFFFF000;
	s12 =	simm.s32 @!p1 $0x3  }
.Ltmp8:
0xe9: {  	_ =	swait.ge @!p1 [sflag:s12], $0x1000;
	(pc) =	sbr.rel @p0 .LBB2_10-.Ltmp8, $4  }
0xea: {  	[sflag:s12] =	ssyncset.done @!p1 $0x0  }
0xeb: {  	s13 =	sshll.u32 @!p1 s4, $0x6;
	[sflag:s12] =	ssyncadd.s32 @!p1 $0xFFFFF000;
	s12 =	sshrl.u32 @!p1 s9, $0x3  }
0xec: {  	s14 =	sshrl.u32 @!p1 s30, $0x3;
	s13 =	sor.u32 @!p1 $0x1C04, s13;
	s12 =	sadd.s32 @!p1 s2, s12  }
0xed: {  	[hbm:s12], [sflag:s13] =	dma.local @!p1 [spmem:s14], $0x1000  }
0xee: {  	v0 =	vld [tilespmem:s8+$0xFFFFFFF0];
	_ =	sdelay $0x4  }
0xef: {  	(v2sf) =	vpush v0, $0x0;
	_ =	sdelay $0xe  }
0xf0: {  	s12 =	spop (v2sf)  }
0xf1: {  	s13 =	sshll.u32 s12, $0xB;
	s12 =	sshll.u32 s12, $0x7  }
0xf2: {  	s13 =	sand.u32 $0xFFFFC000, s13;
	s12 =	sand.u32 $0x380, s12  }
0xf3: {  	s12 =	sor.u32 s12, s13  }
0xf4: {  	s13 =	sshll.u32 s4, $0x6;
	s12 =	sshrl.u32 s12, $0x3  }
0xf5: {  	s14 =	sadd.s32 s1, s12;
	s12 =	sor.u32 $0x1C02, s13;
	s13 =	sshrl.u32 s29, $0x3  }
0xf6: {  	[spmem:s13@s31], [sflag:s12] =	dma.strided [hbm:s14@s31], $0x100, s6, $0x10   }
0xf7: {  	(v2sf) =	vpush v0, $0x1;
	_ =	sdelay $0xe  }
0xf8: {  	s13 =	spop (v2sf)  }
0xf9: {  	s14 =	sshll.u32 s13, $0xB;
	s13 =	sshll.u32 s13, $0x7  }
0xfa: {  	s14 =	sand.u32 $0xFFFFC000, s14;
	s13 =	sand.u32 $0x380, s13  }
0xfb: {  	s13 =	sor.u32 s13, s14  }
0xfc: {  	s13 =	sshrl.u32 s13, $0x3  }
0xfd: {  	s14 =	rddreg [dreg:$0x18];
	s13 =	sadd.s32 s1, s13  }
0xfe: {  	[spmem:s14@s31], [sflag:s12] =	dma.strided [hbm:s13@s31], $0x100, s6, $0x10   }
0xff: {  	(v2sf) =	vpush v0, $0x2;
	_ =	sdelay $0xe  }
0x100: {  	s13 =	spop (v2sf)  }
0x101: {  	s14 =	sshll.u32 s13, $0xB;
	s13 =	sshll.u32 s13, $0x7  }
0x102: {  	s14 =	sand.u32 $0xFFFFC000, s14;
	s13 =	sand.u32 $0x380, s13  }
0x103: {  	s13 =	sor.u32 s13, s14  }
0x104: {  	s13 =	sshrl.u32 s13, $0x3  }
0x105: {  	s14 =	rddreg [dreg:$0x19];
	s13 =	sadd.s32 s1, s13  }
0x106: {  	[spmem:s14@s31], [sflag:s12] =	dma.strided [hbm:s13@s31], $0x100, s6, $0x10   }
0x107: {  	(v2sf) =	vpush v0, $0x3;
	_ =	sdelay $0xe  }
0x108: {  	s13 =	spop (v2sf)  }
0x109: {  	s14 =	sshll.u32 s13, $0xB;
	s13 =	sshll.u32 s13, $0x7  }
0x10a: {  	s14 =	sand.u32 $0xFFFFC000, s14;
	s13 =	sand.u32 $0x380, s13  }
0x10b: {  	s13 =	sor.u32 s13, s14  }
0x10c: {  	s13 =	sshrl.u32 s13, $0x3  }
0x10d: {  	s14 =	rddreg [dreg:$0x1a];
	s13 =	sadd.s32 s1, s13  }
0x10e: {  	[spmem:s14@s31], [sflag:s12] =	dma.strided [hbm:s13@s31], $0x100, s6, $0x10   }
0x10f: {  	(v2sf) =	vpush v0, $0x4;
	_ =	sdelay $0xe  }
0x110: {  	s13 =	spop (v2sf)  }
0x111: {  	s14 =	sshll.u32 s13, $0xB;
	s13 =	sshll.u32 s13, $0x7  }
0x112: {  	s14 =	sand.u32 $0xFFFFC000, s14;
	s13 =	sand.u32 $0x380, s13  }
0x113: {  	s13 =	sor.u32 s13, s14  }
0x114: {  	s13 =	sshrl.u32 s13, $0x3  }
0x115: {  	s14 =	rddreg [dreg:$0x1b];
	s13 =	sadd.s32 s1, s13  }
0x116: {  	[spmem:s14@s31], [sflag:s12] =	dma.strided [hbm:s13@s31], $0x100, s6, $0x10   }
0x117: {  	(v2sf) =	vpush v0, $0x5;
	_ =	sdelay $0xe  }
0x118: {  	s13 =	spop (v2sf)  }
0x119: {  	s14 =	sshll.u32 s13, $0xB;
	s13 =	sshll.u32 s13, $0x7  }
0x11a: {  	s14 =	sand.u32 $0xFFFFC000, s14;
	s13 =	sand.u32 $0x380, s13  }
0x11b: {  	s13 =	sor.u32 s13, s14  }
0x11c: {  	s13 =	sshrl.u32 s13, $0x3  }
0x11d: {  	s14 =	rddreg [dreg:$0x1c];
	s13 =	sadd.s32 s1, s13  }
0x11e: {  	[spmem:s14@s31], [sflag:s12] =	dma.strided [hbm:s13@s31], $0x100, s6, $0x10   }
0x11f: {  	(v2sf) =	vpush v0, $0x6;
	_ =	sdelay $0xe  }
0x120: {  	s13 =	spop (v2sf)  }
0x121: {  	s14 =	sshll.u32 s13, $0xB;
	s13 =	sshll.u32 s13, $0x7  }
0x122: {  	s14 =	sand.u32 $0xFFFFC000, s14;
	s13 =	sand.u32 $0x380, s13  }
0x123: {  	s13 =	sor.u32 s13, s14  }
0x124: {  	s13 =	sshrl.u32 s13, $0x3  }
0x125: {  	s14 =	rddreg [dreg:$0x1d];
	s13 =	sadd.s32 s1, s13  }
0x126: {  	[spmem:s14@s31], [sflag:s12] =	dma.strided [hbm:s13@s31], $0x100, s6, $0x10   }
0x127: {  	(v2sf) =	vpush v0, $0x7;
	_ =	sdelay $0xe  }
0x128: {  	s13 =	spop (v2sf)  }
0x129: {  	s14 =	sshll.u32 s13, $0xB;
	s13 =	sshll.u32 s13, $0x7  }
0x12a: {  	s14 =	sand.u32 $0xFFFFC000, s14;
	s13 =	sand.u32 $0x380, s13  }
0x12b: {  	s13 =	sor.u32 s13, s14  }
0x12c: {  	s13 =	sshrl.u32 s13, $0x3  }
0x12d: {  	s14 =	rddreg [dreg:$0x1e];
	s13 =	sadd.s32 s1, s13  }
0x12e: {  	[spmem:s14@s31], [sflag:s12] =	dma.strided [hbm:s13@s31], $0x100, s6, $0x10   }
0x12f: {  	(v2sf) =	vpush v0, $0x8;
	_ =	sdelay $0xe  }
0x130: {  	s13 =	spop (v2sf)  }
0x131: {  	s14 =	sshll.u32 s13, $0xB;
	s13 =	sshll.u32 s13, $0x7  }
0x132: {  	s14 =	sand.u32 $0xFFFFC000, s14;
	s13 =	sand.u32 $0x380, s13  }
0x133: {  	s13 =	sor.u32 s13, s14  }
0x134: {  	s13 =	sshrl.u32 s13, $0x3  }
0x135: {  	s14 =	rddreg [dreg:$0x1f];
	s13 =	sadd.s32 s1, s13  }
0x136: {  	[spmem:s14@s31], [sflag:s12] =	dma.strided [hbm:s13@s31], $0x100, s6, $0x10   }
0x137: {  	(v2sf) =	vpush v0, $0x9;
	_ =	sdelay $0xe  }
0x138: {  	s13 =	spop (v2sf)  }
0x139: {  	s14 =	sshll.u32 s13, $0xB;
	s13 =	sshll.u32 s13, $0x7  }
0x13a: {  	s14 =	sand.u32 $0xFFFFC000, s14;
	s13 =	sand.u32 $0x380, s13  }
0x13b: {  	s13 =	sor.u32 s13, s14;
	s14 =	sld [smem:$0x7F5]  }
0x13c: {  	s13 =	sshrl.u32 s13, $0x3  }
0x13d: {  	s13 =	sadd.s32 s1, s13  }
0x13e: {  	[spmem:s14@s31], [sflag:s12] =	dma.strided [hbm:s13@s31], $0x100, s6, $0x10   }
0x13f: {  	(v2sf) =	vpush v0, $0xA;
	_ =	sdelay $0xe  }
0x140: {  	s13 =	spop (v2sf)  }
0x141: {  	s14 =	sshll.u32 s13, $0xB;
	s13 =	sshll.u32 s13, $0x7  }
0x142: {  	s14 =	sand.u32 $0xFFFFC000, s14;
	s13 =	sand.u32 $0x380, s13  }
0x143: {  	s13 =	sor.u32 s13, s14;
	s14 =	sld [smem:$0x7F6]  }
0x144: {  	s13 =	sshrl.u32 s13, $0x3  }
0x145: {  	s13 =	sadd.s32 s1, s13  }
0x146: {  	[spmem:s14@s31], [sflag:s12] =	dma.strided [hbm:s13@s31], $0x100, s6, $0x10   }
0x147: {  	(v2sf) =	vpush v0, $0xB;
	_ =	sdelay $0xe  }
0x148: {  	s13 =	spop (v2sf)  }
0x149: {  	s14 =	sshll.u32 s13, $0xB;
	s13 =	sshll.u32 s13, $0x7  }
0x14a: {  	s14 =	sand.u32 $0xFFFFC000, s14;
	s13 =	sand.u32 $0x380, s13  }
0x14b: {  	s13 =	sor.u32 s13, s14;
	s14 =	sld [smem:$0x7F7]  }
0x14c: {  	s13 =	sshrl.u32 s13, $0x3  }
0x14d: {  	s13 =	sadd.s32 s1, s13  }
0x14e: {  	[spmem:s14@s31], [sflag:s12] =	dma.strided [hbm:s13@s31], $0x100, s6, $0x10   }
0x14f: {  	(v2sf) =	vpush v0, $0xC;
	_ =	sdelay $0xe  }
0x150: {  	s13 =	spop (v2sf)  }
0x151: {  	s14 =	sshll.u32 s13, $0xB;
	s13 =	sshll.u32 s13, $0x7  }
0x152: {  	s14 =	sand.u32 $0xFFFFC000, s14;
	s13 =	sand.u32 $0x380, s13  }
0x153: {  	s13 =	sor.u32 s13, s14;
	s14 =	sld [smem:$0x7F8]  }
0x154: {  	s13 =	sshrl.u32 s13, $0x3  }
0x155: {  	s13 =	sadd.s32 s1, s13  }
0x156: {  	[spmem:s14@s31], [sflag:s12] =	dma.strided [hbm:s13@s31], $0x100, s6, $0x10   }
0x157: {  	(v2sf) =	vpush v0, $0xD;
	_ =	sdelay $0xe  }
0x158: {  	s13 =	spop (v2sf)  }
0x159: {  	s14 =	sshll.u32 s13, $0xB;
	s13 =	sshll.u32 s13, $0x7  }
0x15a: {  	s14 =	sand.u32 $0xFFFFC000, s14;
	s13 =	sand.u32 $0x380, s13  }
0x15b: {  	s13 =	sor.u32 s13, s14;
	s14 =	sld [smem:$0x7F9]  }
0x15c: {  	s13 =	sshrl.u32 s13, $0x3  }
0x15d: {  	s13 =	sadd.s32 s1, s13  }
0x15e: {  	[spmem:s14@s31], [sflag:s12] =	dma.strided [hbm:s13@s31], $0x100, s6, $0x10   }
0x15f: {  	(v2sf) =	vpush v0, $0xE;
	_ =	sdelay $0xe  }
0x160: {  	s13 =	spop (v2sf)  }
0x161: {  	s14 =	sshll.u32 s13, $0xB;
	s13 =	sshll.u32 s13, $0x7  }
0x162: {  	s14 =	sand.u32 $0xFFFFC000, s14;
	s13 =	sand.u32 $0x380, s13  }
0x163: {  	s13 =	sor.u32 s13, s14;
	s14 =	sld [smem:$0x7FA]  }
0x164: {  	s13 =	sshrl.u32 s13, $0x3  }
0x165: {  	s13 =	sadd.s32 s1, s13  }
0x166: {  	[spmem:s14@s31], [sflag:s12] =	dma.strided [hbm:s13@s31], $0x100, s6, $0x10   }
0x167: {  	(v2sf) =	vpush v0, $0xF;
	_ =	sdelay $0xe  }
0x168: {  	s13 =	spop (v2sf)  }
0x169: {  	s14 =	sshll.u32 s13, $0xB;
	s13 =	sshll.u32 s13, $0x7  }
0x16a: {  	s14 =	sand.u32 $0xFFFFC000, s14;
	s13 =	sand.u32 $0x380, s13  }
0x16b: {  	s13 =	sor.u32 s13, s14;
	s14 =	sld [smem:$0x7FB]  }
0x16c: {  	s13 =	sshrl.u32 s13, $0x3  }
0x16d: {  	s13 =	sadd.s32 s1, s13  }
0x16e: {  	[spmem:s14@s31], [sflag:s12] =	dma.strided [hbm:s13@s31], $0x100, s6, $0x10   }
.LBB2_10:
.Ltmp9:
0x16f: {  	(pc) =	sbr.rel @p0 .LBB2_14-.Ltmp9, $4  }
0x170: {  	s12 =	simm.s32 @!p1 $0x4  }
0x171: {  	_ =	swait.ge @!p1 [sflag:s12], $0x1000  }
0x172: {  	[sflag:s12] =	ssyncset.done @!p1 $0x0  }
0x173: {  	[sflag:s12] =	ssyncadd.s32 @!p1 $0xFFFFF000  }
0x174: {  	p0 =	sgt.u32 s11, $0x9  }
.Ltmp10:
0x175: {  	_ = 	snop;
	(pc) =	sbr.rel @p0 .LBB2_13-.Ltmp10, $4  }
0x176: {  	_ =	swait.ge [sflag:s6], $0x1000  }
0x177: {  	s12 =	sshll.u32 s4, $0x6;
	[sflag:s6] =	ssyncset.done $0x0  }
0x178: {  	s14 =	sshrl.u32 s5, $0x3;
	s13 =	sor.u32 $0x1C04, s12;
	[sflag:s6] =	ssyncadd.s32 $0xFFFFF000  }
0x179: {  	[hbm:s10], [sflag:s13] =	dma.local [spmem:s14], $0x1000  }
0x17a: {  	v0 =	vld [tilespmem:s8+$0x0];
	_ =	sdelay $0x4  }
0x17b: {  	(v2sf) =	vpush v0, $0x0;
	_ =	sdelay $0xe  }
0x17c: {  	s13 =	spop (v2sf)  }
0x17d: {  	s14 =	sshll.u32 s13, $0xB;
	s13 =	sshll.u32 s13, $0x7  }
0x17e: {  	s14 =	sand.u32 $0xFFFFC000, s14;
	s13 =	sand.u32 $0x380, s13  }
0x17f: {  	s13 =	sor.u32 s13, s14  }
0x180: {  	s13 =	sshrl.u32 s13, $0x3  }
0x181: {  	s12 =	sor.u32 $0x1C03, s12;
	s14 =	sshrl.u32 s30, $0x3;
	s13 =	sadd.s32 s1, s13  }
0x182: {  	[spmem:s14@s31], [sflag:s12] =	dma.strided [hbm:s13@s31], $0x100, s6, $0x10   }
0x183: {  	(v2sf) =	vpush v0, $0x1;
	_ =	sdelay $0xe  }
0x184: {  	s13 =	spop (v2sf)  }
0x185: {  	s14 =	sshll.u32 s13, $0xB;
	s13 =	sshll.u32 s13, $0x7  }
0x186: {  	s14 =	sand.u32 $0xFFFFC000, s14;
	s13 =	sand.u32 $0x380, s13  }
0x187: {  	s13 =	sor.u32 s13, s14  }
0x188: {  	s13 =	sshrl.u32 s13, $0x3  }
0x189: {  	s14 =	rddreg [dreg:$0x9];
	s13 =	sadd.s32 s1, s13  }
0x18a: {  	[spmem:s14@s31], [sflag:s12] =	dma.strided [hbm:s13@s31], $0x100, s6, $0x10   }
0x18b: {  	(v2sf) =	vpush v0, $0x2;
	_ =	sdelay $0xe  }
0x18c: {  	s13 =	spop (v2sf)  }
0x18d: {  	s14 =	sshll.u32 s13, $0xB;
	s13 =	sshll.u32 s13, $0x7  }
0x18e: {  	s14 =	sand.u32 $0xFFFFC000, s14;
	s13 =	sand.u32 $0x380, s13  }
0x18f: {  	s13 =	sor.u32 s13, s14  }
0x190: {  	s13 =	sshrl.u32 s13, $0x3  }
0x191: {  	s14 =	rddreg [dreg:$0xa];
	s13 =	sadd.s32 s1, s13  }
0x192: {  	[spmem:s14@s31], [sflag:s12] =	dma.strided [hbm:s13@s31], $0x100, s6, $0x10   }
0x193: {  	(v2sf) =	vpush v0, $0x3;
	_ =	sdelay $0xe  }
0x194: {  	s13 =	spop (v2sf)  }
0x195: {  	s14 =	sshll.u32 s13, $0xB;
	s13 =	sshll.u32 s13, $0x7  }
0x196: {  	s14 =	sand.u32 $0xFFFFC000, s14;
	s13 =	sand.u32 $0x380, s13  }
0x197: {  	s13 =	sor.u32 s13, s14  }
0x198: {  	s13 =	sshrl.u32 s13, $0x3  }
0x199: {  	s14 =	rddreg [dreg:$0xb];
	s13 =	sadd.s32 s1, s13  }
0x19a: {  	[spmem:s14@s31], [sflag:s12] =	dma.strided [hbm:s13@s31], $0x100, s6, $0x10   }
0x19b: {  	(v2sf) =	vpush v0, $0x4;
	_ =	sdelay $0xe  }
0x19c: {  	s13 =	spop (v2sf)  }
0x19d: {  	s14 =	sshll.u32 s13, $0xB;
	s13 =	sshll.u32 s13, $0x7  }
0x19e: {  	s14 =	sand.u32 $0xFFFFC000, s14;
	s13 =	sand.u32 $0x380, s13  }
0x19f: {  	s13 =	sor.u32 s13, s14  }
0x1a0: {  	s13 =	sshrl.u32 s13, $0x3  }
0x1a1: {  	s14 =	rddreg [dreg:$0xc];
	s13 =	sadd.s32 s1, s13  }
0x1a2: {  	[spmem:s14@s31], [sflag:s12] =	dma.strided [hbm:s13@s31], $0x100, s6, $0x10   }
0x1a3: {  	(v2sf) =	vpush v0, $0x5;
	_ =	sdelay $0xe  }
0x1a4: {  	s13 =	spop (v2sf)  }
0x1a5: {  	s14 =	sshll.u32 s13, $0xB;
	s13 =	sshll.u32 s13, $0x7  }
0x1a6: {  	s14 =	sand.u32 $0xFFFFC000, s14;
	s13 =	sand.u32 $0x380, s13  }
0x1a7: {  	s13 =	sor.u32 s13, s14  }
0x1a8: {  	s13 =	sshrl.u32 s13, $0x3  }
0x1a9: {  	s14 =	rddreg [dreg:$0xd];
	s13 =	sadd.s32 s1, s13  }
0x1aa: {  	[spmem:s14@s31], [sflag:s12] =	dma.strided [hbm:s13@s31], $0x100, s6, $0x10   }
0x1ab: {  	(v2sf) =	vpush v0, $0x6;
	_ =	sdelay $0xe  }
0x1ac: {  	s13 =	spop (v2sf)  }
0x1ad: {  	s14 =	sshll.u32 s13, $0xB;
	s13 =	sshll.u32 s13, $0x7  }
0x1ae: {  	s14 =	sand.u32 $0xFFFFC000, s14;
	s13 =	sand.u32 $0x380, s13  }
0x1af: {  	s13 =	sor.u32 s13, s14  }
0x1b0: {  	s13 =	sshrl.u32 s13, $0x3  }
0x1b1: {  	s14 =	rddreg [dreg:$0xe];
	s13 =	sadd.s32 s1, s13  }
0x1b2: {  	[spmem:s14@s31], [sflag:s12] =	dma.strided [hbm:s13@s31], $0x100, s6, $0x10   }
0x1b3: {  	(v2sf) =	vpush v0, $0x7;
	_ =	sdelay $0xe  }
0x1b4: {  	s13 =	spop (v2sf)  }
0x1b5: {  	s14 =	sshll.u32 s13, $0xB;
	s13 =	sshll.u32 s13, $0x7  }
0x1b6: {  	s14 =	sand.u32 $0xFFFFC000, s14;
	s13 =	sand.u32 $0x380, s13  }
0x1b7: {  	s13 =	sor.u32 s13, s14  }
0x1b8: {  	s13 =	sshrl.u32 s13, $0x3  }
0x1b9: {  	s14 =	rddreg [dreg:$0xf];
	s13 =	sadd.s32 s1, s13  }
0x1ba: {  	[spmem:s14@s31], [sflag:s12] =	dma.strided [hbm:s13@s31], $0x100, s6, $0x10   }
0x1bb: {  	(v2sf) =	vpush v0, $0x8;
	_ =	sdelay $0xe  }
0x1bc: {  	s13 =	spop (v2sf)  }
0x1bd: {  	s14 =	sshll.u32 s13, $0xB;
	s13 =	sshll.u32 s13, $0x7  }
0x1be: {  	s14 =	sand.u32 $0xFFFFC000, s14;
	s13 =	sand.u32 $0x380, s13  }
0x1bf: {  	s13 =	sor.u32 s13, s14  }
0x1c0: {  	s13 =	sshrl.u32 s13, $0x3  }
0x1c1: {  	s14 =	rddreg [dreg:$0x10];
	s13 =	sadd.s32 s1, s13  }
0x1c2: {  	[spmem:s14@s31], [sflag:s12] =	dma.strided [hbm:s13@s31], $0x100, s6, $0x10   }
0x1c3: {  	(v2sf) =	vpush v0, $0x9;
	_ =	sdelay $0xe  }
0x1c4: {  	s13 =	spop (v2sf)  }
0x1c5: {  	s14 =	sshll.u32 s13, $0xB;
	s13 =	sshll.u32 s13, $0x7  }
0x1c6: {  	s14 =	sand.u32 $0xFFFFC000, s14;
	s13 =	sand.u32 $0x380, s13  }
0x1c7: {  	s13 =	sor.u32 s13, s14  }
0x1c8: {  	s13 =	sshrl.u32 s13, $0x3  }
0x1c9: {  	s14 =	rddreg [dreg:$0x11];
	s13 =	sadd.s32 s1, s13  }
0x1ca: {  	[spmem:s14@s31], [sflag:s12] =	dma.strided [hbm:s13@s31], $0x100, s6, $0x10   }
0x1cb: {  	(v2sf) =	vpush v0, $0xA;
	_ =	sdelay $0xe  }
0x1cc: {  	s13 =	spop (v2sf)  }
0x1cd: {  	s14 =	sshll.u32 s13, $0xB;
	s13 =	sshll.u32 s13, $0x7  }
0x1ce: {  	s14 =	sand.u32 $0xFFFFC000, s14;
	s13 =	sand.u32 $0x380, s13  }
0x1cf: {  	s13 =	sor.u32 s13, s14  }
0x1d0: {  	s13 =	sshrl.u32 s13, $0x3  }
0x1d1: {  	s14 =	rddreg [dreg:$0x12];
	s13 =	sadd.s32 s1, s13  }
0x1d2: {  	[spmem:s14@s31], [sflag:s12] =	dma.strided [hbm:s13@s31], $0x100, s6, $0x10   }
0x1d3: {  	(v2sf) =	vpush v0, $0xB;
	_ =	sdelay $0xe  }
0x1d4: {  	s13 =	spop (v2sf)  }
0x1d5: {  	s14 =	sshll.u32 s13, $0xB;
	s13 =	sshll.u32 s13, $0x7  }
0x1d6: {  	s14 =	sand.u32 $0xFFFFC000, s14;
	s13 =	sand.u32 $0x380, s13  }
0x1d7: {  	s13 =	sor.u32 s13, s14  }
0x1d8: {  	s13 =	sshrl.u32 s13, $0x3  }
0x1d9: {  	s14 =	rddreg [dreg:$0x13];
	s13 =	sadd.s32 s1, s13  }
0x1da: {  	[spmem:s14@s31], [sflag:s12] =	dma.strided [hbm:s13@s31], $0x100, s6, $0x10   }
0x1db: {  	(v2sf) =	vpush v0, $0xC;
	_ =	sdelay $0xe  }
0x1dc: {  	s13 =	spop (v2sf)  }
0x1dd: {  	s14 =	sshll.u32 s13, $0xB;
	s13 =	sshll.u32 s13, $0x7  }
0x1de: {  	s14 =	sand.u32 $0xFFFFC000, s14;
	s13 =	sand.u32 $0x380, s13  }
0x1df: {  	s13 =	sor.u32 s13, s14  }
0x1e0: {  	s13 =	sshrl.u32 s13, $0x3  }
0x1e1: {  	s14 =	rddreg [dreg:$0x14];
	s13 =	sadd.s32 s1, s13  }
0x1e2: {  	[spmem:s14@s31], [sflag:s12] =	dma.strided [hbm:s13@s31], $0x100, s6, $0x10   }
0x1e3: {  	(v2sf) =	vpush v0, $0xD;
	_ =	sdelay $0xe  }
0x1e4: {  	s13 =	spop (v2sf)  }
0x1e5: {  	s14 =	sshll.u32 s13, $0xB;
	s13 =	sshll.u32 s13, $0x7  }
0x1e6: {  	s14 =	sand.u32 $0xFFFFC000, s14;
	s13 =	sand.u32 $0x380, s13  }
0x1e7: {  	s13 =	sor.u32 s13, s14  }
0x1e8: {  	s13 =	sshrl.u32 s13, $0x3  }
0x1e9: {  	s14 =	rddreg [dreg:$0x15];
	s13 =	sadd.s32 s1, s13  }
0x1ea: {  	[spmem:s14@s31], [sflag:s12] =	dma.strided [hbm:s13@s31], $0x100, s6, $0x10   }
0x1eb: {  	(v2sf) =	vpush v0, $0xE;
	_ =	sdelay $0xe  }
0x1ec: {  	s13 =	spop (v2sf)  }
0x1ed: {  	s14 =	sshll.u32 s13, $0xB;
	s13 =	sshll.u32 s13, $0x7  }
0x1ee: {  	s14 =	sand.u32 $0xFFFFC000, s14;
	s13 =	sand.u32 $0x380, s13  }
0x1ef: {  	s13 =	sor.u32 s13, s14  }
0x1f0: {  	s13 =	sshrl.u32 s13, $0x3  }
0x1f1: {  	s14 =	rddreg [dreg:$0x16];
	s13 =	sadd.s32 s1, s13  }
0x1f2: {  	[spmem:s14@s31], [sflag:s12] =	dma.strided [hbm:s13@s31], $0x100, s6, $0x10   }
0x1f3: {  	(v2sf) =	vpush v0, $0xF;
	_ =	sdelay $0xe  }
0x1f4: {  	s13 =	spop (v2sf)  }
0x1f5: {  	s14 =	sshll.u32 s13, $0xB;
	s13 =	sshll.u32 s13, $0x7  }
.Ltmp11:
0x1f6: {  	s14 =	sand.u32 $0xFFFFC000, s14;
	s13 =	sand.u32 $0x380, s13;
	(pc) =	sbr.rel .LBB2_13-.Ltmp11, $4  }
0x1f7: {  	s13 =	sor.u32 s13, s14  }
0x1f8: {  	s13 =	sshrl.u32 s13, $0x3  }
0x1f9: {  	s14 =	rddreg [dreg:$0x17];
	s13 =	sadd.s32 s1, s13  }
0x1fa: {  	[spmem:s14@s31], [sflag:s12] =	dma.strided [hbm:s13@s31], $0x100, s6, $0x10   }
.LBB2_15:
0x1fb: {  	_ =	sfence.sel $0x180000  }
0x1fc: {  	[bflag:$0x0] =	sbarrier.arrive $0xFFFF  }
0x1fd: {  	_ =	strace $0x90000047  }
0x1fe: {  	[bflag:$0x2] =	sbarrier.arrive $0xFFFF  }
0x1ff: {  	p0 =	sne.s32 s4, $0x0;
	s0 =	rddreg [dreg:$0x4]  }
0x200: {  	s0 =	sadd.s32 @!p0 $0x100000, s0  }
0x201: {  	[sflag:s0] =	ssyncadd.tile.s32 @!p0 $0x1;
	_ =	shalt  }
.Lfunc_end2:
_tile_overlayer_lowered:
.L_overlay_start_2:
0x202: {  	(tag) =	ssettag $0x2  }
0x203: {  	s0 =	rddreg [dreg:$0x0];
	s2 =	stileid.u32  }
0x204: {  	s1 =	rddreg [dreg:$0x1];
	p0 =	sne.s32 s2, $0x0  }
0x205: {  	s3 =	rddreg [dreg:$0x2];
	[bflag:$0x3] =	sbarrier.arrive $0xFFFF;
	s2 =	simm.s32 @!p0 $0x1C05  }
0x206: {  	[timem:s3], [sflag:s2] =	dma.local @!p0 [hbm:s0], s1  }
0x207: {  	s0 =	simm.s32 @!p0 $0x5  }
0x208: {  	_ =	swait.ge @!p0 [sflag:s0], s1  }
0x209: {  	s1 =	ssub.s32 @!p0 $0x0, s1;
	[sflag:s0] =	ssyncset.done @!p0 $0x0  }
0x20a: {  	[sflag:s0] =	ssyncadd.s32 @!p0 s1  }
0x20b: {  	[bflag:$0x3] =	sbarrier.arrive $0xFFFF  }
0x20c: {  	_ =	shalt  }

</sc_bundles>
